<compile_context>
chip_gen: v7x
topology: tpu7x:2x2x1
jax: 0.10.2.dev20260603
libtpu: 0.0.44.dev20260713+nightly
codegen_flags: <defaults>
</compile_context>

<pallas_src>
import functools

import jax
import jax.numpy as jnp
from jax import lax
from jax.experimental import pallas as pl
from jax.experimental.pallas import tpu as pltpu
from jax.experimental.pallas import tpu_sc as plsc

N = 10000
E = 320000
D = 128

NC = 2
NS = 16
NW = NC * NS
K = 128
NBLK = 80
E_PAD = NW * NBLK * K
N_PAD = 10240
R_SUB = N_PAD // NS
NCHUNK = 2
BPC = NBLK // NCHUNK

_mesh = plsc.VectorSubcoreMesh(
    core_axis_name="c", subcore_axis_name="s", num_cores=NC, num_subcores=NS
)



@functools.partial(
    pl.kernel,
    out_type=jax.ShapeDtypeStruct((NC, N_PAD), jnp.float32),
    mesh=_mesh,
    scratch_types=[
        pltpu.VMEM((NBLK, K), jnp.int32),
        pltpu.VMEM((R_SUB,), jnp.float32),
        pltpu.VMEM((K,), jnp.float32),
        pltpu.VMEM_SHARED((N_PAD,), jnp.float32),
    ],
)
def _deg_kernel(dst_hbm, out_hbm, dst_v, zero_v, ones_v, acc):
    cid = lax.axis_index("c")
    sid = lax.axis_index("s")
    wid = sid * NC + cid

    def fill(i, _):
        zero_v[pl.ds(i * 16, 16)] = jnp.zeros((16,), jnp.float32)
        return 0

    lax.fori_loop(0, R_SUB // 16, fill, 0)

    def fill1(i, _):
        ones_v[pl.ds(i * 16, 16)] = jnp.ones((16,), jnp.float32)
        return 0

    lax.fori_loop(0, K // 16, fill1, 0)

    pltpu.sync_copy(dst_hbm.at[wid], dst_v)
    pltpu.sync_copy(zero_v, acc.at[pl.ds(sid * R_SUB, R_SUB)])
    plsc.subcore_barrier()

    def body(j, _):
        pltpu.sync_copy(ones_v, acc.at[dst_v.at[j]], add=True)
        return 0

    lax.fori_loop(0, NBLK, body, 0)
    plsc.subcore_barrier()
    pltpu.sync_copy(
        acc.at[pl.ds(sid * R_SUB, R_SUB)],
        out_hbm.at[cid, pl.ds(sid * R_SUB, R_SUB)],
    )



@functools.partial(
    pl.kernel,
    out_type=jax.ShapeDtypeStruct((NC, N_PAD, D), jnp.float32),
    mesh=_mesh,
    scratch_types=[
        pltpu.VMEM((BPC, K), jnp.int32),
        pltpu.VMEM((BPC, K), jnp.int32),
        pltpu.VMEM((K, D), jnp.float32),
        pltpu.VMEM((K, D), jnp.float32),
        pltpu.VMEM_SHARED((N_PAD, D), jnp.float32),
        pltpu.SemaphoreType.DMA,
        pltpu.SemaphoreType.DMA,
    ],
)
def _agg_kernel(hp_hbm, src_hbm, dst_hbm, out_hbm,
                src_v, dst_v, buf0, buf1, acc, sem0, sem1):
    cid = lax.axis_index("c")
    sid = lax.axis_index("s")
    wid = sid * NC + cid

    def fill(i, _):
        buf0[i // 8, pl.ds((i % 8) * 16, 16)] = jnp.zeros((16,), jnp.float32)
        return 0

    lax.fori_loop(0, K * 8, fill, 0)
    for t in range(R_SUB // K):
        pltpu.sync_copy(buf0, acc.at[pl.ds(sid * R_SUB + t * K, K)])
    plsc.subcore_barrier()

    def chunk(c, _):
        pltpu.sync_copy(src_hbm.at[wid, pl.ds(c * BPC, BPC)], src_v)
        pltpu.sync_copy(dst_hbm.at[wid, pl.ds(c * BPC, BPC)], dst_v)
        pltpu.async_copy(hp_hbm.at[src_v.at[0]], buf0, sem0)
        pltpu.async_copy(hp_hbm.at[src_v.at[1]], buf1, sem1)

        def body(g, _):
            a = 2 * g
            pltpu.make_async_copy(hp_hbm.at[src_v.at[a]], buf0, sem0).wait()
            pltpu.sync_copy(buf0, acc.at[dst_v.at[a]], add=True)

            @pl.when(g < BPC // 2 - 1)
            def _():
                pltpu.async_copy(hp_hbm.at[src_v.at[a + 2]], buf0, sem0)

            pltpu.make_async_copy(hp_hbm.at[src_v.at[a + 1]], buf1, sem1).wait()
            pltpu.sync_copy(buf1, acc.at[dst_v.at[a + 1]], add=True)

            @pl.when(g < BPC // 2 - 1)
            def _():
                pltpu.async_copy(hp_hbm.at[src_v.at[a + 3]], buf1, sem1)

            return 0

        lax.fori_loop(0, BPC // 2, body, 0)
        return 0

    lax.fori_loop(0, NCHUNK, chunk, 0)
    plsc.subcore_barrier()
    pltpu.sync_copy(
        acc.at[pl.ds(sid * R_SUB, R_SUB)],
        out_hbm.at[cid, pl.ds(sid * R_SUB, R_SUB)],
    )



_GB = 10
_RB = N_PAD // _GB


def _tc_mm_body(x_ref, w_ref, out_ref):
    out_ref[...] = jnp.dot(
        x_ref[...], w_ref[...], preferred_element_type=jnp.float32
    )


def _tc_mm(x, W1):
    return pl.pallas_call(
        _tc_mm_body,
        grid=(_GB,),
        in_specs=[
            pl.BlockSpec((N // _GB, D), lambda i: (i, 0)),
            pl.BlockSpec((D, D), lambda i: (0, 0)),
        ],
        out_specs=pl.BlockSpec((N // _GB, D), lambda i: (i, 0)),
        out_shape=jax.ShapeDtypeStruct((N_PAD, D), jnp.float32),
    )(x, W1)


def _tc_scale_body(deg_ref, h_ref, hp_ref, dis_ref):
    deg = deg_ref[0] + deg_ref[1] + 1.0
    dis = lax.rsqrt(deg)
    dis_ref[...] = dis
    hp_ref[...] = h_ref[...] * dis


def _tc_scale(deg3, h1x):
    return pl.pallas_call(
        _tc_scale_body,
        grid=(_GB,),
        in_specs=[
            pl.BlockSpec((NC, _RB, 1), lambda i: (0, i, 0)),
            pl.BlockSpec((_RB, D), lambda i: (i, 0)),
        ],
        out_specs=[
            pl.BlockSpec((_RB, D), lambda i: (i, 0)),
            pl.BlockSpec((_RB, 1), lambda i: (i, 0)),
        ],
        out_shape=[
            jax.ShapeDtypeStruct((N_PAD, D), jnp.float32),
            jax.ShapeDtypeStruct((N_PAD, 1), jnp.float32),
        ],
    )(deg3, h1x)


def _tc_mid_body(p_ref, hp_ref, dis_ref, b_ref, w_ref, out_ref):
    z = (p_ref[0] + p_ref[1] + hp_ref[...]) * dis_ref[...] + b_ref[...]
    r = jnp.maximum(z, 0.0)
    out_ref[...] = jnp.dot(
        r, w_ref[...], preferred_element_type=jnp.float32
    ) * dis_ref[...]


def _tc_mid(parts, hp, dis2, b1, W2):
    return pl.pallas_call(
        _tc_mid_body,
        grid=(_GB,),
        in_specs=[
            pl.BlockSpec((NC, _RB, D), lambda i: (0, i, 0)),
            pl.BlockSpec((_RB, D), lambda i: (i, 0)),
            pl.BlockSpec((_RB, 1), lambda i: (i, 0)),
            pl.BlockSpec((1, D), lambda i: (0, 0)),
            pl.BlockSpec((D, D), lambda i: (0, 0)),
        ],
        out_specs=pl.BlockSpec((_RB, D), lambda i: (i, 0)),
        out_shape=jax.ShapeDtypeStruct((N_PAD, D), jnp.float32),
    )(parts, hp, dis2, b1, W2)


def _tc_final_body(p_ref, hp_ref, dis_ref, b_ref, out_ref):
    out_ref[...] = (
        p_ref[0] + p_ref[1] + hp_ref[...]
    ) * dis_ref[...] + b_ref[...]


_RBF = N // _GB


def _tc_final(parts, hp, dis2, b2):
    return pl.pallas_call(
        _tc_final_body,
        grid=(_GB,),
        in_specs=[
            pl.BlockSpec((NC, _RBF, D), lambda i: (0, i, 0)),
            pl.BlockSpec((_RBF, D), lambda i: (i, 0)),
            pl.BlockSpec((_RBF, 1), lambda i: (i, 0)),
            pl.BlockSpec((1, D), lambda i: (0, 0)),
        ],
        out_specs=pl.BlockSpec((_RBF, D), lambda i: (i, 0)),
        out_shape=jax.ShapeDtypeStruct((N, D), jnp.float32),
    )(parts, hp, dis2, b2)



def kernel(x, edge_index, W1, b1, W2, b2):
    src = edge_index[0]
    dst = edge_index[1]
    pad_idx = jnp.arange(E_PAD - E, dtype=jnp.int32) % (N_PAD - N) + N
    src_p = jnp.concatenate([src, pad_idx]).reshape(NW, NBLK, K)
    dst_p = jnp.concatenate([dst, pad_idx]).reshape(NW, NBLK, K)

    h1x = _tc_mm(x, W1)
    degp = _deg_kernel(dst_p)
    hp1, dis2 = _tc_scale(degp[..., None], h1x)
    parts1 = _agg_kernel(hp1, src_p, dst_p)
    hp2 = _tc_mid(parts1, hp1, dis2, b1.reshape(1, D), W2)
    parts2 = _agg_kernel(hp2, src_p, dst_p)
    return _tc_final(parts2, hp2, dis2, b2.reshape(1, D))

# --- scband reference (transcript-rebuilt; emitter-appended) ---
"""Pipeline reference for scband-gnnmodel-66322884985041 (READ-ONLY COPY).

The authoritative reference and input builder live on the scoring server;
editing this copy changes nothing except your own understanding.
"""

import jax, jax.numpy as jnp
import numpy as np

N = 10000
E = 320000
D_IN = 128
D_HID = 128
D_OUT = 128


def setup_inputs(seed: int = 0) -> dict:
    key = jax.random.key(seed)
    k1, k2, k3, k4, k5, k6 = jax.random.split(key, 6)
    x = jax.random.normal(k1, (N, D_IN), dtype=jnp.float32)
    edge_index = jax.random.randint(k2, (2, E), 0, N, dtype=jnp.int32)
    # GCNConv layer 1 params (glorot-like init for weight, zeros for bias)
    W1 = jax.random.normal(k3, (D_IN, D_HID), dtype=jnp.float32) * (1.0 / np.sqrt(D_IN))
    b1 = jnp.zeros((D_HID,), dtype=jnp.float32)
    # GCNConv layer 2 params
    W2 = jax.random.normal(k4, (D_HID, D_OUT), dtype=jnp.float32) * (1.0 / np.sqrt(D_HID))
    b2 = jnp.zeros((D_OUT,), dtype=jnp.float32)
    return {"x": x, "edge_index": edge_index, "W1": W1, "b1": b1, "W2": W2, "b2": b2}


def _gcn_conv(x, edge_index, W, b, num_nodes):
    # PyG GCNConv: add self-loops, symmetric normalization D^-1/2 (A+I) D^-1/2 X W + b
    src = edge_index[0]
    dst = edge_index[1]
    loop = jnp.arange(num_nodes, dtype=src.dtype)
    s = jnp.concatenate([src, loop])
    d = jnp.concatenate([dst, loop])
    deg = jax.ops.segment_sum(jnp.ones_like(s, dtype=x.dtype), d, num_segments=num_nodes)
    deg_inv_sqrt = jnp.where(deg > 0, jax.lax.rsqrt(jnp.maximum(deg, 1e-12)), 0.0)
    norm = deg_inv_sqrt[s] * deg_inv_sqrt[d]
    h = x @ W
    msgs = h[s] * norm[:, None]
    out = jax.ops.segment_sum(msgs, d, num_segments=num_nodes)
    return out + b


def reference(x, edge_index, W1, b1, W2, b2):
    h = _gcn_conv(x, edge_index, W1, b1, N)
    h = jax.nn.relu(h)
    out = _gcn_conv(h, edge_index, W2, b2, N)
    return out

if __name__ == "__main__":
    import jax
    _d = setup_inputs()
    print(jax.jit(kernel)(*tuple(_d.values())))

</pallas_src>

<mosaic_0001>
#map = affine_map<(d0, d1) -> (0, 0, 0)>
#map1 = affine_map<(d0, d1) -> (0, 0)>
module attributes {stable_mosaic.version = 14 : i64} {
  func.func @_deg_kernel(%arg0: i32, %arg1: i32, %arg2: memref<32x80x128xi32, #tpu.memory_space<hbm>>, %arg3: memref<2x10240xf32, #tpu.memory_space<hbm>>, %arg4: memref<80x128xi32, #tpu.memory_space<vmem>>, %arg5: memref<640xf32, #tpu.memory_space<vmem>>, %arg6: memref<128xf32, #tpu.memory_space<vmem>>, %arg7: memref<10240xf32, #tpu.memory_space<vmem_shared>>) attributes {dimension_semantics = [#tpu.dimension_semantics<core_parallel>, #tpu.dimension_semantics<subcore_parallel>], iteration_bounds = array<i64: 2, 16>, scalar_prefetch = 0 : i64, scratch_operands = 4 : i64, tpu.core_type = #tpu.core_type<sc_vector_subcore>, window_params = [{transform_indices = #map}, {transform_indices = #map1}]} {
    %mul3A = arith.constant 2 : i32
    %mul3A_0 = arith.muli %arg1, %mul3A : i32
    %add3A = arith.addi %mul3A_0, %arg0 : i32
    %scan3A = arith.constant 0 : i32
    %scan3A_1 = arith.constant 0 : i32
    %scan3A_2 = arith.constant 40 : i32
    %scan3A_3 = arith.addi %scan3A_1, %scan3A_2 : i32
    %scan3A_4 = arith.constant 1 : i32
    %scan3A_5 = scf.for %scan3A_28 = %scan3A_1 to %scan3A_3 step %scan3A_4 iter_args(%scan3A_29 = %scan3A) -> (i32)  : i32 {
      %broadcast_in_dim3A = arith.constant 0.000000e+00 : f32
      %broadcast_in_dim3A_30 = vector.broadcast %broadcast_in_dim3A : f32 to vector<16xf32>
      %mul3A_31 = arith.constant 16 : i32
      %mul3A_32 = arith.muli %scan3A_28, %mul3A_31 : i32
      %swap3A = arith.index_cast %mul3A_32 : i32 to index
      %swap3A_33 = tpu.vector_load %arg5[%swap3A] {strides = array<i32>} : memref<640xf32, #tpu.memory_space<vmem>>, vector<16xf32>,
      %swap3A_34 = vector.shape_cast %swap3A_33 : vector<16xf32> to vector<16xf32>
      %swap3A_35 = vector.shape_cast %broadcast_in_dim3A_30 : vector<16xf32> to vector<16xf32>
      tpu.vector_store %arg5[%swap3A], %swap3A_35 {strides = array<i32>} : memref<640xf32, #tpu.memory_space<vmem>>, vector<16xf32>,
      %scan3A_36 = arith.constant 0 : i32
      scf.yield %scan3A_36 : i32
    }
    %scan3A_6 = arith.constant 40 : i32
    %scan3A_7 = arith.constant 0 : i32
    %scan3A_8 = arith.constant 0 : i32
    %scan3A_9 = arith.constant 8 : i32
    %scan3A_10 = arith.addi %scan3A_8, %scan3A_9 : i32
    %scan3A_11 = arith.constant 1 : i32
    %scan3A_12 = scf.for %scan3A_28 = %scan3A_8 to %scan3A_10 step %scan3A_11 iter_args(%scan3A_29 = %scan3A_7) -> (i32)  : i32 {
      %broadcast_in_dim3A = arith.constant 1.000000e+00 : f32
      %broadcast_in_dim3A_30 = vector.broadcast %broadcast_in_dim3A : f32 to vector<16xf32>
      %mul3A_31 = arith.constant 16 : i32
      %mul3A_32 = arith.muli %scan3A_28, %mul3A_31 : i32
      %swap3A = arith.index_cast %mul3A_32 : i32 to index
      %swap3A_33 = tpu.vector_load %arg6[%swap3A] {strides = array<i32>} : memref<128xf32, #tpu.memory_space<vmem>>, vector<16xf32>,
      %swap3A_34 = vector.shape_cast %swap3A_33 : vector<16xf32> to vector<16xf32>
      %swap3A_35 = vector.shape_cast %broadcast_in_dim3A_30 : vector<16xf32> to vector<16xf32>
      tpu.vector_store %arg6[%swap3A], %swap3A_35 {strides = array<i32>} : memref<128xf32, #tpu.memory_space<vmem>>, vector<16xf32>,
      %scan3A_36 = arith.constant 0 : i32
      scf.yield %scan3A_36 : i32
    }
    %scan3A_13 = arith.constant 8 : i32
    "tpu.region"() ({
      %run_scoped3A = tpu.sem_alloc : memref<!tpu.dma_semaphore, #tpu.memory_space<semaphore_mem>>
      %dma_start3A = arith.constant 0 : i32
      %dma_start3A_28 = arith.constant 0 : i32
      %dma_start3A_29 = tpu.memref_slice %arg2[%add3A, %dma_start3A, %dma_start3A_28] : memref<32x80x128xi32, #tpu.memory_space<hbm>> -> memref<1x80x128xi32, #tpu.memory_space<hbm>>
      %dma_start3A_30 = tpu.memref_squeeze %dma_start3A_29 : memref<1x80x128xi32, #tpu.memory_space<hbm>> -> memref<80x128xi32, #tpu.memory_space<hbm>>
      %dma_start3A_31 = arith.constant 0 : i32
      %dma_start3A_32 = arith.constant 0 : i32
      %dma_start3A_33 = tpu.memref_slice %arg2[%add3A, %dma_start3A_31, %dma_start3A_32] : memref<32x80x128xi32, #tpu.memory_space<hbm>> -> memref<1x80x128xi32, #tpu.memory_space<hbm>>
      %dma_start3A_34 = tpu.memref_squeeze %dma_start3A_33 : memref<1x80x128xi32, #tpu.memory_space<hbm>> -> memref<80x128xi32, #tpu.memory_space<hbm>>
      tpu.enqueue_dma source(%dma_start3A_34 : memref<80x128xi32, #tpu.memory_space<hbm>>) target(%arg4 : memref<80x128xi32, #tpu.memory_space<vmem>>) target_semaphore(%run_scoped3A : memref<!tpu.dma_semaphore, #tpu.memory_space<semaphore_mem>>)
      %dma_wait3A = arith.constant 0 : i32
      %dma_wait3A_35 = arith.constant 0 : i32
      %dma_wait3A_36 = tpu.memref_slice %arg2[%add3A, %dma_wait3A, %dma_wait3A_35] : memref<32x80x128xi32, #tpu.memory_space<hbm>> -> memref<1x80x128xi32, #tpu.memory_space<hbm>>
      %dma_wait3A_37 = tpu.memref_squeeze %dma_wait3A_36 : memref<1x80x128xi32, #tpu.memory_space<hbm>> -> memref<80x128xi32, #tpu.memory_space<hbm>>
      %dma_wait3A_38 = arith.constant 0 : i32
      %dma_wait3A_39 = arith.constant 0 : i32
      %dma_wait3A_40 = tpu.memref_slice %arg2[%add3A, %dma_wait3A_38, %dma_wait3A_39] : memref<32x80x128xi32, #tpu.memory_space<hbm>> -> memref<1x80x128xi32, #tpu.memory_space<hbm>>
      %dma_wait3A_41 = tpu.memref_squeeze %dma_wait3A_40 : memref<1x80x128xi32, #tpu.memory_space<hbm>> -> memref<80x128xi32, #tpu.memory_space<hbm>>
      tpu.wait_dma2 semaphore(%run_scoped3A : memref<!tpu.dma_semaphore, #tpu.memory_space<semaphore_mem>>) src(%dma_wait3A_41 : memref<80x128xi32, #tpu.memory_space<hbm>>) dst(%arg4 : memref<80x128xi32, #tpu.memory_space<vmem>>)
      tpu.yield
    }) : () -> ()
    %mul3A_14 = arith.constant 640 : i32
    %mul3A_15 = arith.muli %arg1, %mul3A_14 : i32
    "tpu.region"() ({
      %run_scoped3A = tpu.sem_alloc : memref<!tpu.dma_semaphore, #tpu.memory_space<semaphore_mem>>
      %dma_start3A = tpu.memref_slice %arg7[%mul3A_15] : memref<10240xf32, #tpu.memory_space<vmem_shared>> -> memref<640xf32, #tpu.memory_space<vmem_shared>>
      %dma_start3A_28 = tpu.memref_slice %arg7[%mul3A_15] : memref<10240xf32, #tpu.memory_space<vmem_shared>> -> memref<640xf32, #tpu.memory_space<vmem_shared>>
      tpu.enqueue_dma source(%arg5 : memref<640xf32, #tpu.memory_space<vmem>>) target(%dma_start3A_28 : memref<640xf32, #tpu.memory_space<vmem_shared>>) target_semaphore(%run_scoped3A : memref<!tpu.dma_semaphore, #tpu.memory_space<semaphore_mem>>)
      %dma_wait3A = tpu.memref_slice %arg7[%mul3A_15] : memref<10240xf32, #tpu.memory_space<vmem_shared>> -> memref<640xf32, #tpu.memory_space<vmem_shared>>
      %dma_wait3A_29 = tpu.memref_slice %arg7[%mul3A_15] : memref<10240xf32, #tpu.memory_space<vmem_shared>> -> memref<640xf32, #tpu.memory_space<vmem_shared>>
      tpu.wait_dma2 semaphore(%run_scoped3A : memref<!tpu.dma_semaphore, #tpu.memory_space<semaphore_mem>>) src(%arg5 : memref<640xf32, #tpu.memory_space<vmem>>) dst(%dma_wait3A_29 : memref<640xf32, #tpu.memory_space<vmem_shared>>)
      tpu.yield
    }) : () -> ()
    %barrier3A = arith.constant 0 : index
    tpu.barrier barrier_id(%barrier3A)
    %scan3A_16 = arith.constant 0 : i32
    %scan3A_17 = arith.constant 0 : i32
    %scan3A_18 = arith.constant 80 : i32
    %scan3A_19 = arith.addi %scan3A_17, %scan3A_18 : i32
    %scan3A_20 = arith.constant 1 : i32
    %scan3A_21 = scf.for %scan3A_28 = %scan3A_17 to %scan3A_19 step %scan3A_20 iter_args(%scan3A_29 = %scan3A_16) -> (i32)  : i32 {
      "tpu.region"() ({
        %run_scoped3A = tpu.sem_alloc : memref<!tpu.dma_semaphore, #tpu.memory_space<semaphore_mem>>
        %dma_start3A = arith.constant 0 : i32
        %dma_start3A_31 = tpu.memref_slice %arg4[%scan3A_28, %dma_start3A] : memref<80x128xi32, #tpu.memory_space<vmem>> -> memref<1x128xi32, #tpu.memory_space<vmem>>
        %dma_start3A_32 = tpu.memref_squeeze %dma_start3A_31 : memref<1x128xi32, #tpu.memory_space<vmem>> -> memref<128xi32, #tpu.memory_space<vmem>>
        %dma_start3A_33 = arith.constant 0 : i32
        %dma_start3A_34 = tpu.memref_slice %arg7[%dma_start3A_33] : memref<10240xf32, #tpu.memory_space<vmem_shared>> -> memref<10240xf32, #tpu.memory_space<vmem_shared>>
        tpu.enqueue_indirect_dma source(%arg6 : memref<128xf32, #tpu.memory_space<vmem>>) target(%dma_start3A_34 : memref<10240xf32, #tpu.memory_space<vmem_shared>>) offsets(%dma_start3A_32 : memref<128xi32, #tpu.memory_space<vmem>>) semaphore(%run_scoped3A : memref<!tpu.dma_semaphore, #tpu.memory_space<semaphore_mem>>) {add = true}
        %dma_wait3A = arith.constant 0 : i32
        %dma_wait3A_35 = tpu.memref_slice %arg4[%scan3A_28, %dma_wait3A] : memref<80x128xi32, #tpu.memory_space<vmem>> -> memref<1x128xi32, #tpu.memory_space<vmem>>
        %dma_wait3A_36 = tpu.memref_squeeze %dma_wait3A_35 : memref<1x128xi32, #tpu.memory_space<vmem>> -> memref<128xi32, #tpu.memory_space<vmem>>
        %dma_wait3A_37 = arith.constant 0 : i32
        %dma_wait3A_38 = tpu.memref_slice %arg7[%dma_wait3A_37] : memref<10240xf32, #tpu.memory_space<vmem_shared>> -> memref<10240xf32, #tpu.memory_space<vmem_shared>>
        tpu.wait_indirect_dma semaphore(%run_scoped3A : memref<!tpu.dma_semaphore, #tpu.memory_space<semaphore_mem>>) src(%arg6 : memref<128xf32, #tpu.memory_space<vmem>>) dst(%dma_wait3A_38 : memref<10240xf32, #tpu.memory_space<vmem_shared>>)
        tpu.yield
      }) : () -> ()
      %scan3A_30 = arith.constant 0 : i32
      scf.yield %scan3A_30 : i32
    }
    %scan3A_22 = arith.constant 80 : i32
    %barrier3A_23 = arith.constant 0 : index
    tpu.barrier barrier_id(%barrier3A_23)
    %mul3A_24 = arith.constant 640 : i32
    %mul3A_25 = arith.muli %arg1, %mul3A_24 : i32
    %mul3A_26 = arith.constant 640 : i32
    %mul3A_27 = arith.muli %arg1, %mul3A_26 : i32
    "tpu.region"() ({
      %run_scoped3A = tpu.sem_alloc : memref<!tpu.dma_semaphore, #tpu.memory_space<semaphore_mem>>
      %dma_start3A = tpu.memref_slice %arg3[%arg0, %mul3A_27] : memref<2x10240xf32, #tpu.memory_space<hbm>> -> memref<1x640xf32, #tpu.memory_space<hbm>>
      %dma_start3A_28 = tpu.memref_squeeze %dma_start3A : memref<1x640xf32, #tpu.memory_space<hbm>> -> memref<640xf32, #tpu.memory_space<hbm>>
      %dma_start3A_29 = tpu.memref_slice %arg7[%mul3A_25] : memref<10240xf32, #tpu.memory_space<vmem_shared>> -> memref<640xf32, #tpu.memory_space<vmem_shared>>
      tpu.enqueue_dma source(%dma_start3A_29 : memref<640xf32, #tpu.memory_space<vmem_shared>>) target(%dma_start3A_28 : memref<640xf32, #tpu.memory_space<hbm>>) target_semaphore(%run_scoped3A : memref<!tpu.dma_semaphore, #tpu.memory_space<semaphore_mem>>)
      %dma_wait3A = tpu.memref_slice %arg3[%arg0, %mul3A_27] : memref<2x10240xf32, #tpu.memory_space<hbm>> -> memref<1x640xf32, #tpu.memory_space<hbm>>
      %dma_wait3A_30 = tpu.memref_squeeze %dma_wait3A : memref<1x640xf32, #tpu.memory_space<hbm>> -> memref<640xf32, #tpu.memory_space<hbm>>
      %dma_wait3A_31 = tpu.memref_slice %arg7[%mul3A_25] : memref<10240xf32, #tpu.memory_space<vmem_shared>> -> memref<640xf32, #tpu.memory_space<vmem_shared>>
      tpu.wait_dma2 semaphore(%run_scoped3A : memref<!tpu.dma_semaphore, #tpu.memory_space<semaphore_mem>>) src(%dma_wait3A_31 : memref<640xf32, #tpu.memory_space<vmem_shared>>) dst(%dma_wait3A_30 : memref<640xf32, #tpu.memory_space<hbm>>)
      tpu.yield
    }) : () -> ()
    return
  }
}

#map = affine_map<(d0, d1) -> (0, 0)>
#map1 = affine_map<(d0, d1) -> (0, 0, 0)>
module attributes {stable_mosaic.version = 14 : i64} {
  func.func @_agg_kernel(%arg0: i32, %arg1: i32, %arg2: memref<10240x128xf32, #tpu.memory_space<hbm>>, %arg3: memref<32x80x128xi32, #tpu.memory_space<hbm>>, %arg4: memref<32x80x128xi32, #tpu.memory_space<hbm>>, %arg5: memref<2x10240x128xf32, #tpu.memory_space<hbm>>, %arg6: memref<40x128xi32, #tpu.memory_space<vmem>>, %arg7: memref<40x128xi32, #tpu.memory_space<vmem>>, %arg8: memref<128x128xf32, #tpu.memory_space<vmem>>, %arg9: memref<128x128xf32, #tpu.memory_space<vmem>>, %arg10: memref<10240x128xf32, #tpu.memory_space<vmem_shared>>, %arg11: memref<!tpu.dma_semaphore, #tpu.memory_space<semaphore_mem>>, %arg12: memref<!tpu.dma_semaphore, #tpu.memory_space<semaphore_mem>>) attributes {dimension_semantics = [#tpu.dimension_semantics<core_parallel>, #tpu.dimension_semantics<subcore_parallel>], iteration_bounds = array<i64: 2, 16>, scalar_prefetch = 0 : i64, scratch_operands = 7 : i64, tpu.core_type = #tpu.core_type<sc_vector_subcore>, window_params = [{transform_indices = #map}, {transform_indices = #map1}, {transform_indices = #map1}, {transform_indices = #map1}]} {
    %mul3A = arith.constant 2 : i32
    %mul3A_0 = arith.muli %arg1, %mul3A : i32
    %add3A = arith.addi %mul3A_0, %arg0 : i32
    %scan3A = arith.constant 0 : i32
    %scan3A_1 = arith.constant 0 : i32
    %scan3A_2 = arith.constant 1024 : i32
    %scan3A_3 = arith.addi %scan3A_1, %scan3A_2 : i32
    %scan3A_4 = arith.constant 1 : i32
    %scan3A_5 = scf.for %scan3A_39 = %scan3A_1 to %scan3A_3 step %scan3A_4 iter_args(%scan3A_40 = %scan3A) -> (i32)  : i32 {
      %broadcast_in_dim3A = arith.constant 0.000000e+00 : f32
      %broadcast_in_dim3A_41 = vector.broadcast %broadcast_in_dim3A : f32 to vector<16xf32>
      %jit3A = arith.constant 8 : i32
      %div3A = arith.divsi %scan3A_39, %jit3A : i32
      %sign3A = arith.constant 0 : i32
      %sign3A_42 = arith.cmpi sgt, %scan3A_39, %sign3A : i32
      %sign3A_43 = arith.extui %sign3A_42 : i1 to i32
      %sign3A_44 = arith.constant 0 : i32
      %sign3A_45 = arith.cmpi slt, %scan3A_39, %sign3A_44 : i32
      %sign3A_46 = arith.extui %sign3A_45 : i1 to i32
      %sign3A_47 = arith.subi %sign3A_43, %sign3A_46 : i32
      %sign3A_48 = arith.constant 0 : i32
      %sign3A_49 = arith.cmpi sgt, %jit3A, %sign3A_48 : i32
      %sign3A_50 = arith.extui %sign3A_49 : i1 to i32
      %sign3A_51 = arith.constant 0 : i32
      %sign3A_52 = arith.cmpi slt, %jit3A, %sign3A_51 : i32
      %sign3A_53 = arith.extui %sign3A_52 : i1 to i32
      %sign3A_54 = arith.subi %sign3A_50, %sign3A_53 : i32
      %ne3A = arith.cmpi ne, %sign3A_47, %sign3A_54 : i32
      %rem3A = arith.remsi %scan3A_39, %jit3A : i32
      %ne3A_55 = arith.constant 0 : i32
      %ne3A_56 = arith.cmpi ne, %rem3A, %ne3A_55 : i32
      %and3A = arith.andi %ne3A, %ne3A_56 : i1
      %sub3A = arith.constant 1 : i32
      %sub3A_57 = arith.subi %div3A, %sub3A : i32
      %select_n3A = arith.select %and3A, %sub3A_57, %div3A : i32
      %jit3A_58 = arith.constant 8 : i32
      %eq3A = arith.constant 0 : i32
      %eq3A_59 = arith.cmpi eq, %jit3A_58, %eq3A : i32
      %jit3A_60 = arith.constant 1 : i32
      %select_n3A_61 = arith.select %eq3A_59, %jit3A_60, %jit3A_58 : i32
      %rem3A_62 = arith.remsi %scan3A_39, %select_n3A_61 : i32
      %ne3A_63 = arith.constant 0 : i32
      %ne3A_64 = arith.cmpi ne, %rem3A_62, %ne3A_63 : i32
      %lt3A = arith.constant 0 : i32
      %lt3A_65 = arith.cmpi slt, %rem3A_62, %lt3A : i32
      %lt3A_66 = arith.constant 0 : i32
      %lt3A_67 = arith.cmpi slt, %select_n3A_61, %lt3A_66 : i32
      %ne3A_68 = arith.xori %lt3A_65, %lt3A_67 : i1
      %and3A_69 = arith.andi %ne3A_68, %ne3A_64 : i1
      %add3A_70 = arith.addi %rem3A_62, %select_n3A_61 : i32
      %select_n3A_71 = arith.select %and3A_69, %add3A_70, %rem3A_62 : i32
      %mul3A_72 = arith.constant 16 : i32
      %mul3A_73 = arith.muli %select_n3A_71, %mul3A_72 : i32
      %swap3A = arith.index_cast %select_n3A : i32 to index
      %swap3A_74 = arith.index_cast %mul3A_73 : i32 to index
      %swap3A_75 = tpu.vector_load %arg8[%swap3A, %swap3A_74] {strides = array<i32>} : memref<128x128xf32, #tpu.memory_space<vmem>>, vector<1x16xf32>,
      %swap3A_76 = vector.shape_cast %swap3A_75 : vector<1x16xf32> to vector<16xf32>
      %swap3A_77 = vector.shape_cast %broadcast_in_dim3A_41 : vector<16xf32> to vector<1x16xf32>
      tpu.vector_store %arg8[%swap3A, %swap3A_74], %swap3A_77 {strides = array<i32>} : memref<128x128xf32, #tpu.memory_space<vmem>>, vector<1x16xf32>,
      %scan3A_78 = arith.constant 0 : i32
      scf.yield %scan3A_78 : i32
    }
    %scan3A_6 = arith.constant 1024 : i32
    %mul3A_7 = arith.constant 640 : i32
    %mul3A_8 = arith.muli %arg1, %mul3A_7 : i32
    %add3A_9 = arith.constant 0 : i32
    %add3A_10 = arith.addi %mul3A_8, %add3A_9 : i32
    "tpu.region"() ({
      %run_scoped3A = tpu.sem_alloc : memref<!tpu.dma_semaphore, #tpu.memory_space<semaphore_mem>>
      %dma_start3A = arith.constant 0 : i32
      %dma_start3A_39 = tpu.memref_slice %arg10[%add3A_10, %dma_start3A] : memref<10240x128xf32, #tpu.memory_space<vmem_shared>> -> memref<128x128xf32, #tpu.memory_space<vmem_shared>>
      %dma_start3A_40 = arith.constant 0 : i32
      %dma_start3A_41 = tpu.memref_slice %arg10[%add3A_10, %dma_start3A_40] : memref<10240x128xf32, #tpu.memory_space<vmem_shared>> -> memref<128x128xf32, #tpu.memory_space<vmem_shared>>
      tpu.enqueue_dma source(%arg8 : memref<128x128xf32, #tpu.memory_space<vmem>>) target(%dma_start3A_41 : memref<128x128xf32, #tpu.memory_space<vmem_shared>>) target_semaphore(%run_scoped3A : memref<!tpu.dma_semaphore, #tpu.memory_space<semaphore_mem>>)
      %dma_wait3A = arith.constant 0 : i32
      %dma_wait3A_42 = tpu.memref_slice %arg10[%add3A_10, %dma_wait3A] : memref<10240x128xf32, #tpu.memory_space<vmem_shared>> -> memref<128x128xf32, #tpu.memory_space<vmem_shared>>
      %dma_wait3A_43 = arith.constant 0 : i32
      %dma_wait3A_44 = tpu.memref_slice %arg10[%add3A_10, %dma_wait3A_43] : memref<10240x128xf32, #tpu.memory_space<vmem_shared>> -> memref<128x128xf32, #tpu.memory_space<vmem_shared>>
      tpu.wait_dma2 semaphore(%run_scoped3A : memref<!tpu.dma_semaphore, #tpu.memory_space<semaphore_mem>>) src(%arg8 : memref<128x128xf32, #tpu.memory_space<vmem>>) dst(%dma_wait3A_44 : memref<128x128xf32, #tpu.memory_space<vmem_shared>>)
      tpu.yield
    }) : () -> ()
    %mul3A_11 = arith.constant 640 : i32
    %mul3A_12 = arith.muli %arg1, %mul3A_11 : i32
    %add3A_13 = arith.constant 128 : i32
    %add3A_14 = arith.addi %mul3A_12, %add3A_13 : i32
    "tpu.region"() ({
      %run_scoped3A = tpu.sem_alloc : memref<!tpu.dma_semaphore, #tpu.memory_space<semaphore_mem>>
      %dma_start3A = arith.constant 0 : i32
      %dma_start3A_39 = tpu.memref_slice %arg10[%add3A_14, %dma_start3A] : memref<10240x128xf32, #tpu.memory_space<vmem_shared>> -> memref<128x128xf32, #tpu.memory_space<vmem_shared>>
      %dma_start3A_40 = arith.constant 0 : i32
      %dma_start3A_41 = tpu.memref_slice %arg10[%add3A_14, %dma_start3A_40] : memref<10240x128xf32, #tpu.memory_space<vmem_shared>> -> memref<128x128xf32, #tpu.memory_space<vmem_shared>>
      tpu.enqueue_dma source(%arg8 : memref<128x128xf32, #tpu.memory_space<vmem>>) target(%dma_start3A_41 : memref<128x128xf32, #tpu.memory_space<vmem_shared>>) target_semaphore(%run_scoped3A : memref<!tpu.dma_semaphore, #tpu.memory_space<semaphore_mem>>)
      %dma_wait3A = arith.constant 0 : i32
      %dma_wait3A_42 = tpu.memref_slice %arg10[%add3A_14, %dma_wait3A] : memref<10240x128xf32, #tpu.memory_space<vmem_shared>> -> memref<128x128xf32, #tpu.memory_space<vmem_shared>>
      %dma_wait3A_43 = arith.constant 0 : i32
      %dma_wait3A_44 = tpu.memref_slice %arg10[%add3A_14, %dma_wait3A_43] : memref<10240x128xf32, #tpu.memory_space<vmem_shared>> -> memref<128x128xf32, #tpu.memory_space<vmem_shared>>
      tpu.wait_dma2 semaphore(%run_scoped3A : memref<!tpu.dma_semaphore, #tpu.memory_space<semaphore_mem>>) src(%arg8 : memref<128x128xf32, #tpu.memory_space<vmem>>) dst(%dma_wait3A_44 : memref<128x128xf32, #tpu.memory_space<vmem_shared>>)
      tpu.yield
    }) : () -> ()
    %mul3A_15 = arith.constant 640 : i32
    %mul3A_16 = arith.muli %arg1, %mul3A_15 : i32
    %add3A_17 = arith.constant 256 : i32
    %add3A_18 = arith.addi %mul3A_16, %add3A_17 : i32
    "tpu.region"() ({
      %run_scoped3A = tpu.sem_alloc : memref<!tpu.dma_semaphore, #tpu.memory_space<semaphore_mem>>
      %dma_start3A = arith.constant 0 : i32
      %dma_start3A_39 = tpu.memref_slice %arg10[%add3A_18, %dma_start3A] : memref<10240x128xf32, #tpu.memory_space<vmem_shared>> -> memref<128x128xf32, #tpu.memory_space<vmem_shared>>
      %dma_start3A_40 = arith.constant 0 : i32
      %dma_start3A_41 = tpu.memref_slice %arg10[%add3A_18, %dma_start3A_40] : memref<10240x128xf32, #tpu.memory_space<vmem_shared>> -> memref<128x128xf32, #tpu.memory_space<vmem_shared>>
      tpu.enqueue_dma source(%arg8 : memref<128x128xf32, #tpu.memory_space<vmem>>) target(%dma_start3A_41 : memref<128x128xf32, #tpu.memory_space<vmem_shared>>) target_semaphore(%run_scoped3A : memref<!tpu.dma_semaphore, #tpu.memory_space<semaphore_mem>>)
      %dma_wait3A = arith.constant 0 : i32
      %dma_wait3A_42 = tpu.memref_slice %arg10[%add3A_18, %dma_wait3A] : memref<10240x128xf32, #tpu.memory_space<vmem_shared>> -> memref<128x128xf32, #tpu.memory_space<vmem_shared>>
      %dma_wait3A_43 = arith.constant 0 : i32
      %dma_wait3A_44 = tpu.memref_slice %arg10[%add3A_18, %dma_wait3A_43] : memref<10240x128xf32, #tpu.memory_space<vmem_shared>> -> memref<128x128xf32, #tpu.memory_space<vmem_shared>>
      tpu.wait_dma2 semaphore(%run_scoped3A : memref<!tpu.dma_semaphore, #tpu.memory_space<semaphore_mem>>) src(%arg8 : memref<128x128xf32, #tpu.memory_space<vmem>>) dst(%dma_wait3A_44 : memref<128x128xf32, #tpu.memory_space<vmem_shared>>)
      tpu.yield
    }) : () -> ()
    %mul3A_19 = arith.constant 640 : i32
    %mul3A_20 = arith.muli %arg1, %mul3A_19 : i32
    %add3A_21 = arith.constant 384 : i32
    %add3A_22 = arith.addi %mul3A_20, %add3A_21 : i32
    "tpu.region"() ({
      %run_scoped3A = tpu.sem_alloc : memref<!tpu.dma_semaphore, #tpu.memory_space<semaphore_mem>>
      %dma_start3A = arith.constant 0 : i32
      %dma_start3A_39 = tpu.memref_slice %arg10[%add3A_22, %dma_start3A] : memref<10240x128xf32, #tpu.memory_space<vmem_shared>> -> memref<128x128xf32, #tpu.memory_space<vmem_shared>>
      %dma_start3A_40 = arith.constant 0 : i32
      %dma_start3A_41 = tpu.memref_slice %arg10[%add3A_22, %dma_start3A_40] : memref<10240x128xf32, #tpu.memory_space<vmem_shared>> -> memref<128x128xf32, #tpu.memory_space<vmem_shared>>
      tpu.enqueue_dma source(%arg8 : memref<128x128xf32, #tpu.memory_space<vmem>>) target(%dma_start3A_41 : memref<128x128xf32, #tpu.memory_space<vmem_shared>>) target_semaphore(%run_scoped3A : memref<!tpu.dma_semaphore, #tpu.memory_space<semaphore_mem>>)
      %dma_wait3A = arith.constant 0 : i32
      %dma_wait3A_42 = tpu.memref_slice %arg10[%add3A_22, %dma_wait3A] : memref<10240x128xf32, #tpu.memory_space<vmem_shared>> -> memref<128x128xf32, #tpu.memory_space<vmem_shared>>
      %dma_wait3A_43 = arith.constant 0 : i32
      %dma_wait3A_44 = tpu.memref_slice %arg10[%add3A_22, %dma_wait3A_43] : memref<10240x128xf32, #tpu.memory_space<vmem_shared>> -> memref<128x128xf32, #tpu.memory_space<vmem_shared>>
      tpu.wait_dma2 semaphore(%run_scoped3A : memref<!tpu.dma_semaphore, #tpu.memory_space<semaphore_mem>>) src(%arg8 : memref<128x128xf32, #tpu.memory_space<vmem>>) dst(%dma_wait3A_44 : memref<128x128xf32, #tpu.memory_space<vmem_shared>>)
      tpu.yield
    }) : () -> ()
    %mul3A_23 = arith.constant 640 : i32
    %mul3A_24 = arith.muli %arg1, %mul3A_23 : i32
    %add3A_25 = arith.constant 512 : i32
    %add3A_26 = arith.addi %mul3A_24, %add3A_25 : i32
    "tpu.region"() ({
      %run_scoped3A = tpu.sem_alloc : memref<!tpu.dma_semaphore, #tpu.memory_space<semaphore_mem>>
      %dma_start3A = arith.constant 0 : i32
      %dma_start3A_39 = tpu.memref_slice %arg10[%add3A_26, %dma_start3A] : memref<10240x128xf32, #tpu.memory_space<vmem_shared>> -> memref<128x128xf32, #tpu.memory_space<vmem_shared>>
      %dma_start3A_40 = arith.constant 0 : i32
      %dma_start3A_41 = tpu.memref_slice %arg10[%add3A_26, %dma_start3A_40] : memref<10240x128xf32, #tpu.memory_space<vmem_shared>> -> memref<128x128xf32, #tpu.memory_space<vmem_shared>>
      tpu.enqueue_dma source(%arg8 : memref<128x128xf32, #tpu.memory_space<vmem>>) target(%dma_start3A_41 : memref<128x128xf32, #tpu.memory_space<vmem_shared>>) target_semaphore(%run_scoped3A : memref<!tpu.dma_semaphore, #tpu.memory_space<semaphore_mem>>)
      %dma_wait3A = arith.constant 0 : i32
      %dma_wait3A_42 = tpu.memref_slice %arg10[%add3A_26, %dma_wait3A] : memref<10240x128xf32, #tpu.memory_space<vmem_shared>> -> memref<128x128xf32, #tpu.memory_space<vmem_shared>>
      %dma_wait3A_43 = arith.constant 0 : i32
      %dma_wait3A_44 = tpu.memref_slice %arg10[%add3A_26, %dma_wait3A_43] : memref<10240x128xf32, #tpu.memory_space<vmem_shared>> -> memref<128x128xf32, #tpu.memory_space<vmem_shared>>
      tpu.wait_dma2 semaphore(%run_scoped3A : memref<!tpu.dma_semaphore, #tpu.memory_space<semaphore_mem>>) src(%arg8 : memref<128x128xf32, #tpu.memory_space<vmem>>) dst(%dma_wait3A_44 : memref<128x128xf32, #tpu.memory_space<vmem_shared>>)
      tpu.yield
    }) : () -> ()
    %barrier3A = arith.constant 0 : index
    tpu.barrier barrier_id(%barrier3A)
    %scan3A_27 = arith.constant 0 : i32
    %scan3A_28 = arith.constant 0 : i32
    %scan3A_29 = arith.constant 2 : i32
    %scan3A_30 = arith.addi %scan3A_28, %scan3A_29 : i32
    %scan3A_31 = arith.constant 1 : i32
    %scan3A_32 = scf.for %scan3A_39 = %scan3A_28 to %scan3A_30 step %scan3A_31 iter_args(%scan3A_40 = %scan3A_27) -> (i32)  : i32 {
      %mul3A_41 = arith.constant 40 : i32
      %mul3A_42 = arith.muli %scan3A_39, %mul3A_41 : i32
      "tpu.region"() ({
        %run_scoped3A = tpu.sem_alloc : memref<!tpu.dma_semaphore, #tpu.memory_space<semaphore_mem>>
        %dma_start3A_66 = arith.constant 0 : i32
        %dma_start3A_67 = tpu.memref_slice %arg3[%add3A, %mul3A_42, %dma_start3A_66] : memref<32x80x128xi32, #tpu.memory_space<hbm>> -> memref<1x40x128xi32, #tpu.memory_space<hbm>>
        %dma_start3A_68 = tpu.memref_squeeze %dma_start3A_67 : memref<1x40x128xi32, #tpu.memory_space<hbm>> -> memref<40x128xi32, #tpu.memory_space<hbm>>
        %dma_start3A_69 = arith.constant 0 : i32
        %dma_start3A_70 = tpu.memref_slice %arg3[%add3A, %mul3A_42, %dma_start3A_69] : memref<32x80x128xi32, #tpu.memory_space<hbm>> -> memref<1x40x128xi32, #tpu.memory_space<hbm>>
        %dma_start3A_71 = tpu.memref_squeeze %dma_start3A_70 : memref<1x40x128xi32, #tpu.memory_space<hbm>> -> memref<40x128xi32, #tpu.memory_space<hbm>>
        tpu.enqueue_dma source(%dma_start3A_71 : memref<40x128xi32, #tpu.memory_space<hbm>>) target(%arg6 : memref<40x128xi32, #tpu.memory_space<vmem>>) target_semaphore(%run_scoped3A : memref<!tpu.dma_semaphore, #tpu.memory_space<semaphore_mem>>)
        %dma_wait3A = arith.constant 0 : i32
        %dma_wait3A_72 = tpu.memref_slice %arg3[%add3A, %mul3A_42, %dma_wait3A] : memref<32x80x128xi32, #tpu.memory_space<hbm>> -> memref<1x40x128xi32, #tpu.memory_space<hbm>>
        %dma_wait3A_73 = tpu.memref_squeeze %dma_wait3A_72 : memref<1x40x128xi32, #tpu.memory_space<hbm>> -> memref<40x128xi32, #tpu.memory_space<hbm>>
        %dma_wait3A_74 = arith.constant 0 : i32
        %dma_wait3A_75 = tpu.memref_slice %arg3[%add3A, %mul3A_42, %dma_wait3A_74] : memref<32x80x128xi32, #tpu.memory_space<hbm>> -> memref<1x40x128xi32, #tpu.memory_space<hbm>>
        %dma_wait3A_76 = tpu.memref_squeeze %dma_wait3A_75 : memref<1x40x128xi32, #tpu.memory_space<hbm>> -> memref<40x128xi32, #tpu.memory_space<hbm>>
        tpu.wait_dma2 semaphore(%run_scoped3A : memref<!tpu.dma_semaphore, #tpu.memory_space<semaphore_mem>>) src(%dma_wait3A_76 : memref<40x128xi32, #tpu.memory_space<hbm>>) dst(%arg6 : memref<40x128xi32, #tpu.memory_space<vmem>>)
        tpu.yield
      }) : () -> ()
      %mul3A_43 = arith.constant 40 : i32
      %mul3A_44 = arith.muli %scan3A_39, %mul3A_43 : i32
      "tpu.region"() ({
        %run_scoped3A = tpu.sem_alloc : memref<!tpu.dma_semaphore, #tpu.memory_space<semaphore_mem>>
        %dma_start3A_66 = arith.constant 0 : i32
        %dma_start3A_67 = tpu.memref_slice %arg4[%add3A, %mul3A_44, %dma_start3A_66] : memref<32x80x128xi32, #tpu.memory_space<hbm>> -> memref<1x40x128xi32, #tpu.memory_space<hbm>>
        %dma_start3A_68 = tpu.memref_squeeze %dma_start3A_67 : memref<1x40x128xi32, #tpu.memory_space<hbm>> -> memref<40x128xi32, #tpu.memory_space<hbm>>
        %dma_start3A_69 = arith.constant 0 : i32
        %dma_start3A_70 = tpu.memref_slice %arg4[%add3A, %mul3A_44, %dma_start3A_69] : memref<32x80x128xi32, #tpu.memory_space<hbm>> -> memref<1x40x128xi32, #tpu.memory_space<hbm>>
        %dma_start3A_71 = tpu.memref_squeeze %dma_start3A_70 : memref<1x40x128xi32, #tpu.memory_space<hbm>> -> memref<40x128xi32, #tpu.memory_space<hbm>>
        tpu.enqueue_dma source(%dma_start3A_71 : memref<40x128xi32, #tpu.memory_space<hbm>>) target(%arg7 : memref<40x128xi32, #tpu.memory_space<vmem>>) target_semaphore(%run_scoped3A : memref<!tpu.dma_semaphore, #tpu.memory_space<semaphore_mem>>)
        %dma_wait3A = arith.constant 0 : i32
        %dma_wait3A_72 = tpu.memref_slice %arg4[%add3A, %mul3A_44, %dma_wait3A] : memref<32x80x128xi32, #tpu.memory_space<hbm>> -> memref<1x40x128xi32, #tpu.memory_space<hbm>>
        %dma_wait3A_73 = tpu.memref_squeeze %dma_wait3A_72 : memref<1x40x128xi32, #tpu.memory_space<hbm>> -> memref<40x128xi32, #tpu.memory_space<hbm>>
        %dma_wait3A_74 = arith.constant 0 : i32
        %dma_wait3A_75 = tpu.memref_slice %arg4[%add3A, %mul3A_44, %dma_wait3A_74] : memref<32x80x128xi32, #tpu.memory_space<hbm>> -> memref<1x40x128xi32, #tpu.memory_space<hbm>>
        %dma_wait3A_76 = tpu.memref_squeeze %dma_wait3A_75 : memref<1x40x128xi32, #tpu.memory_space<hbm>> -> memref<40x128xi32, #tpu.memory_space<hbm>>
        tpu.wait_dma2 semaphore(%run_scoped3A : memref<!tpu.dma_semaphore, #tpu.memory_space<semaphore_mem>>) src(%dma_wait3A_76 : memref<40x128xi32, #tpu.memory_space<hbm>>) dst(%arg7 : memref<40x128xi32, #tpu.memory_space<vmem>>)
        tpu.yield
      }) : () -> ()
      %dma_start3A = arith.constant 0 : i32
      %dma_start3A_45 = arith.constant 0 : i32
      %dma_start3A_46 = tpu.memref_slice %arg6[%dma_start3A, %dma_start3A_45] : memref<40x128xi32, #tpu.memory_space<vmem>> -> memref<1x128xi32, #tpu.memory_space<vmem>>
      %dma_start3A_47 = tpu.memref_squeeze %dma_start3A_46 : memref<1x128xi32, #tpu.memory_space<vmem>> -> memref<128xi32, #tpu.memory_space<vmem>>
      %dma_start3A_48 = arith.constant 0 : i32
      %dma_start3A_49 = arith.constant 0 : i32
      %dma_start3A_50 = tpu.memref_slice %arg2[%dma_start3A_48, %dma_start3A_49] : memref<10240x128xf32, #tpu.memory_space<hbm>> -> memref<10240x128xf32, #tpu.memory_space<hbm>>
      tpu.enqueue_indirect_dma source(%dma_start3A_50 : memref<10240x128xf32, #tpu.memory_space<hbm>>) target(%arg8 : memref<128x128xf32, #tpu.memory_space<vmem>>) offsets(%dma_start3A_47 : memref<128xi32, #tpu.memory_space<vmem>>) semaphore(%arg11 : memref<!tpu.dma_semaphore, #tpu.memory_space<semaphore_mem>>)
      %dma_start3A_51 = arith.constant 1 : i32
      %dma_start3A_52 = arith.constant 0 : i32
      %dma_start3A_53 = tpu.memref_slice %arg6[%dma_start3A_51, %dma_start3A_52] : memref<40x128xi32, #tpu.memory_space<vmem>> -> memref<1x128xi32, #tpu.memory_space<vmem>>
      %dma_start3A_54 = tpu.memref_squeeze %dma_start3A_53 : memref<1x128xi32, #tpu.memory_space<vmem>> -> memref<128xi32, #tpu.memory_space<vmem>>
      %dma_start3A_55 = arith.constant 0 : i32
      %dma_start3A_56 = arith.constant 0 : i32
      %dma_start3A_57 = tpu.memref_slice %arg2[%dma_start3A_55, %dma_start3A_56] : memref<10240x128xf32, #tpu.memory_space<hbm>> -> memref<10240x128xf32, #tpu.memory_space<hbm>>
      tpu.enqueue_indirect_dma source(%dma_start3A_57 : memref<10240x128xf32, #tpu.memory_space<hbm>>) target(%arg9 : memref<128x128xf32, #tpu.memory_space<vmem>>) offsets(%dma_start3A_54 : memref<128xi32, #tpu.memory_space<vmem>>) semaphore(%arg12 : memref<!tpu.dma_semaphore, #tpu.memory_space<semaphore_mem>>)
      %scan3A_58 = arith.constant 0 : i32
      %scan3A_59 = arith.constant 0 : i32
      %scan3A_60 = arith.constant 20 : i32
      %scan3A_61 = arith.addi %scan3A_59, %scan3A_60 : i32
      %scan3A_62 = arith.constant 1 : i32
      %scan3A_63 = scf.for %scan3A_66 = %scan3A_59 to %scan3A_61 step %scan3A_62 iter_args(%scan3A_67 = %scan3A_58) -> (i32)  : i32 {
        %mul3A_68 = arith.constant 2 : i32
        %mul3A_69 = arith.muli %mul3A_68, %scan3A_66 : i32
        %dma_wait3A = arith.constant 0 : i32
        %dma_wait3A_70 = tpu.memref_slice %arg6[%mul3A_69, %dma_wait3A] : memref<40x128xi32, #tpu.memory_space<vmem>> -> memref<1x128xi32, #tpu.memory_space<vmem>>
        %dma_wait3A_71 = tpu.memref_squeeze %dma_wait3A_70 : memref<1x128xi32, #tpu.memory_space<vmem>> -> memref<128xi32, #tpu.memory_space<vmem>>
        %dma_wait3A_72 = arith.constant 0 : i32
        %dma_wait3A_73 = arith.constant 0 : i32
        %dma_wait3A_74 = tpu.memref_slice %arg2[%dma_wait3A_72, %dma_wait3A_73] : memref<10240x128xf32, #tpu.memory_space<hbm>> -> memref<10240x128xf32, #tpu.memory_space<hbm>>
        tpu.wait_indirect_dma semaphore(%arg11 : memref<!tpu.dma_semaphore, #tpu.memory_space<semaphore_mem>>) src(%dma_wait3A_74 : memref<10240x128xf32, #tpu.memory_space<hbm>>) dst(%arg8 : memref<128x128xf32, #tpu.memory_space<vmem>>)
        "tpu.region"() ({
          %run_scoped3A = tpu.sem_alloc : memref<!tpu.dma_semaphore, #tpu.memory_space<semaphore_mem>>
          %dma_start3A_93 = arith.constant 0 : i32
          %dma_start3A_94 = tpu.memref_slice %arg7[%mul3A_69, %dma_start3A_93] : memref<40x128xi32, #tpu.memory_space<vmem>> -> memref<1x128xi32, #tpu.memory_space<vmem>>
          %dma_start3A_95 = tpu.memref_squeeze %dma_start3A_94 : memref<1x128xi32, #tpu.memory_space<vmem>> -> memref<128xi32, #tpu.memory_space<vmem>>
          %dma_start3A_96 = arith.constant 0 : i32
          %dma_start3A_97 = arith.constant 0 : i32
          %dma_start3A_98 = tpu.memref_slice %arg10[%dma_start3A_96, %dma_start3A_97] : memref<10240x128xf32, #tpu.memory_space<vmem_shared>> -> memref<10240x128xf32, #tpu.memory_space<vmem_shared>>
          tpu.enqueue_indirect_dma source(%arg8 : memref<128x128xf32, #tpu.memory_space<vmem>>) target(%dma_start3A_98 : memref<10240x128xf32, #tpu.memory_space<vmem_shared>>) offsets(%dma_start3A_95 : memref<128xi32, #tpu.memory_space<vmem>>) semaphore(%run_scoped3A : memref<!tpu.dma_semaphore, #tpu.memory_space<semaphore_mem>>) {add = true}
          %dma_wait3A_99 = arith.constant 0 : i32
          %dma_wait3A_100 = tpu.memref_slice %arg7[%mul3A_69, %dma_wait3A_99] : memref<40x128xi32, #tpu.memory_space<vmem>> -> memref<1x128xi32, #tpu.memory_space<vmem>>
          %dma_wait3A_101 = tpu.memref_squeeze %dma_wait3A_100 : memref<1x128xi32, #tpu.memory_space<vmem>> -> memref<128xi32, #tpu.memory_space<vmem>>
          %dma_wait3A_102 = arith.constant 0 : i32
          %dma_wait3A_103 = arith.constant 0 : i32
          %dma_wait3A_104 = tpu.memref_slice %arg10[%dma_wait3A_102, %dma_wait3A_103] : memref<10240x128xf32, #tpu.memory_space<vmem_shared>> -> memref<10240x128xf32, #tpu.memory_space<vmem_shared>>
          tpu.wait_indirect_dma semaphore(%run_scoped3A : memref<!tpu.dma_semaphore, #tpu.memory_space<semaphore_mem>>) src(%arg8 : memref<128x128xf32, #tpu.memory_space<vmem>>) dst(%dma_wait3A_104 : memref<10240x128xf32, #tpu.memory_space<vmem_shared>>)
          tpu.yield
        }) : () -> ()
        %lt3A = arith.constant 19 : i32
        %lt3A_75 = arith.cmpi slt, %scan3A_66, %lt3A : i32
        %convert_element_type3A = arith.extui %lt3A_75 : i1 to i32
        %cond3A = arith.constant 0 : i32
        %cond3A_76 = arith.cmpi ne, %convert_element_type3A, %cond3A : i32
        scf.if %cond3A_76 {
          %add3A_93 = arith.constant 2 : i32
          %add3A_94 = arith.addi %mul3A_69, %add3A_93 : i32
          %dma_start3A_95 = arith.constant 0 : i32
          %dma_start3A_96 = tpu.memref_slice %arg6[%add3A_94, %dma_start3A_95] : memref<40x128xi32, #tpu.memory_space<vmem>> -> memref<1x128xi32, #tpu.memory_space<vmem>>
          %dma_start3A_97 = tpu.memref_squeeze %dma_start3A_96 : memref<1x128xi32, #tpu.memory_space<vmem>> -> memref<128xi32, #tpu.memory_space<vmem>>
          %dma_start3A_98 = arith.constant 0 : i32
          %dma_start3A_99 = arith.constant 0 : i32
          %dma_start3A_100 = tpu.memref_slice %arg2[%dma_start3A_98, %dma_start3A_99] : memref<10240x128xf32, #tpu.memory_space<hbm>> -> memref<10240x128xf32, #tpu.memory_space<hbm>>
          tpu.enqueue_indirect_dma source(%dma_start3A_100 : memref<10240x128xf32, #tpu.memory_space<hbm>>) target(%arg8 : memref<128x128xf32, #tpu.memory_space<vmem>>) offsets(%dma_start3A_97 : memref<128xi32, #tpu.memory_space<vmem>>) semaphore(%arg11 : memref<!tpu.dma_semaphore, #tpu.memory_space<semaphore_mem>>)
        } else {
        }
        %add3A_77 = arith.constant 1 : i32
        %add3A_78 = arith.addi %mul3A_69, %add3A_77 : i32
        %dma_wait3A_79 = arith.constant 0 : i32
        %dma_wait3A_80 = tpu.memref_slice %arg6[%add3A_78, %dma_wait3A_79] : memref<40x128xi32, #tpu.memory_space<vmem>> -> memref<1x128xi32, #tpu.memory_space<vmem>>
        %dma_wait3A_81 = tpu.memref_squeeze %dma_wait3A_80 : memref<1x128xi32, #tpu.memory_space<vmem>> -> memref<128xi32, #tpu.memory_space<vmem>>
        %dma_wait3A_82 = arith.constant 0 : i32
        %dma_wait3A_83 = arith.constant 0 : i32
        %dma_wait3A_84 = tpu.memref_slice %arg2[%dma_wait3A_82, %dma_wait3A_83] : memref<10240x128xf32, #tpu.memory_space<hbm>> -> memref<10240x128xf32, #tpu.memory_space<hbm>>
        tpu.wait_indirect_dma semaphore(%arg12 : memref<!tpu.dma_semaphore, #tpu.memory_space<semaphore_mem>>) src(%dma_wait3A_84 : memref<10240x128xf32, #tpu.memory_space<hbm>>) dst(%arg9 : memref<128x128xf32, #tpu.memory_space<vmem>>)
        %add3A_85 = arith.constant 1 : i32
        %add3A_86 = arith.addi %mul3A_69, %add3A_85 : i32
        "tpu.region"() ({
          %run_scoped3A = tpu.sem_alloc : memref<!tpu.dma_semaphore, #tpu.memory_space<semaphore_mem>>
          %dma_start3A_93 = arith.constant 0 : i32
          %dma_start3A_94 = tpu.memref_slice %arg7[%add3A_86, %dma_start3A_93] : memref<40x128xi32, #tpu.memory_space<vmem>> -> memref<1x128xi32, #tpu.memory_space<vmem>>
          %dma_start3A_95 = tpu.memref_squeeze %dma_start3A_94 : memref<1x128xi32, #tpu.memory_space<vmem>> -> memref<128xi32, #tpu.memory_space<vmem>>
          %dma_start3A_96 = arith.constant 0 : i32
          %dma_start3A_97 = arith.constant 0 : i32
          %dma_start3A_98 = tpu.memref_slice %arg10[%dma_start3A_96, %dma_start3A_97] : memref<10240x128xf32, #tpu.memory_space<vmem_shared>> -> memref<10240x128xf32, #tpu.memory_space<vmem_shared>>
          tpu.enqueue_indirect_dma source(%arg9 : memref<128x128xf32, #tpu.memory_space<vmem>>) target(%dma_start3A_98 : memref<10240x128xf32, #tpu.memory_space<vmem_shared>>) offsets(%dma_start3A_95 : memref<128xi32, #tpu.memory_space<vmem>>) semaphore(%run_scoped3A : memref<!tpu.dma_semaphore, #tpu.memory_space<semaphore_mem>>) {add = true}
          %dma_wait3A_99 = arith.constant 0 : i32
          %dma_wait3A_100 = tpu.memref_slice %arg7[%add3A_86, %dma_wait3A_99] : memref<40x128xi32, #tpu.memory_space<vmem>> -> memref<1x128xi32, #tpu.memory_space<vmem>>
          %dma_wait3A_101 = tpu.memref_squeeze %dma_wait3A_100 : memref<1x128xi32, #tpu.memory_space<vmem>> -> memref<128xi32, #tpu.memory_space<vmem>>
          %dma_wait3A_102 = arith.constant 0 : i32
          %dma_wait3A_103 = arith.constant 0 : i32
          %dma_wait3A_104 = tpu.memref_slice %arg10[%dma_wait3A_102, %dma_wait3A_103] : memref<10240x128xf32, #tpu.memory_space<vmem_shared>> -> memref<10240x128xf32, #tpu.memory_space<vmem_shared>>
          tpu.wait_indirect_dma semaphore(%run_scoped3A : memref<!tpu.dma_semaphore, #tpu.memory_space<semaphore_mem>>) src(%arg9 : memref<128x128xf32, #tpu.memory_space<vmem>>) dst(%dma_wait3A_104 : memref<10240x128xf32, #tpu.memory_space<vmem_shared>>)
          tpu.yield
        }) : () -> ()
        %lt3A_87 = arith.constant 19 : i32
        %lt3A_88 = arith.cmpi slt, %scan3A_66, %lt3A_87 : i32
        %convert_element_type3A_89 = arith.extui %lt3A_88 : i1 to i32
        %cond3A_90 = arith.constant 0 : i32
        %cond3A_91 = arith.cmpi ne, %convert_element_type3A_89, %cond3A_90 : i32
        scf.if %cond3A_91 {
          %add3A_93 = arith.constant 3 : i32
          %add3A_94 = arith.addi %mul3A_69, %add3A_93 : i32
          %dma_start3A_95 = arith.constant 0 : i32
          %dma_start3A_96 = tpu.memref_slice %arg6[%add3A_94, %dma_start3A_95] : memref<40x128xi32, #tpu.memory_space<vmem>> -> memref<1x128xi32, #tpu.memory_space<vmem>>
          %dma_start3A_97 = tpu.memref_squeeze %dma_start3A_96 : memref<1x128xi32, #tpu.memory_space<vmem>> -> memref<128xi32, #tpu.memory_space<vmem>>
          %dma_start3A_98 = arith.constant 0 : i32
          %dma_start3A_99 = arith.constant 0 : i32
          %dma_start3A_100 = tpu.memref_slice %arg2[%dma_start3A_98, %dma_start3A_99] : memref<10240x128xf32, #tpu.memory_space<hbm>> -> memref<10240x128xf32, #tpu.memory_space<hbm>>
          tpu.enqueue_indirect_dma source(%dma_start3A_100 : memref<10240x128xf32, #tpu.memory_space<hbm>>) target(%arg9 : memref<128x128xf32, #tpu.memory_space<vmem>>) offsets(%dma_start3A_97 : memref<128xi32, #tpu.memory_space<vmem>>) semaphore(%arg12 : memref<!tpu.dma_semaphore, #tpu.memory_space<semaphore_mem>>)
        } else {
        }
        %scan3A_92 = arith.constant 0 : i32
        scf.yield %scan3A_92 : i32
      }
      %scan3A_64 = arith.constant 20 : i32
      %scan3A_65 = arith.constant 0 : i32
      scf.yield %scan3A_65 : i32
    }
    %scan3A_33 = arith.constant 2 : i32
    %barrier3A_34 = arith.constant 0 : index
    tpu.barrier barrier_id(%barrier3A_34)
    %mul3A_35 = arith.constant 640 : i32
    %mul3A_36 = arith.muli %arg1, %mul3A_35 : i32
    %mul3A_37 = arith.constant 640 : i32
    %mul3A_38 = arith.muli %arg1, %mul3A_37 : i32
    "tpu.region"() ({
      %run_scoped3A = tpu.sem_alloc : memref<!tpu.dma_semaphore, #tpu.memory_space<semaphore_mem>>
      %dma_start3A = arith.constant 0 : i32
      %dma_start3A_39 = tpu.memref_slice %arg5[%arg0, %mul3A_38, %dma_start3A] : memref<2x10240x128xf32, #tpu.memory_space<hbm>> -> memref<1x640x128xf32, #tpu.memory_space<hbm>>
      %dma_start3A_40 = tpu.memref_squeeze %dma_start3A_39 : memref<1x640x128xf32, #tpu.memory_space<hbm>> -> memref<640x128xf32, #tpu.memory_space<hbm>>
      %dma_start3A_41 = arith.constant 0 : i32
      %dma_start3A_42 = tpu.memref_slice %arg10[%mul3A_36, %dma_start3A_41] : memref<10240x128xf32, #tpu.memory_space<vmem_shared>> -> memref<640x128xf32, #tpu.memory_space<vmem_shared>>
      tpu.enqueue_dma source(%dma_start3A_42 : memref<640x128xf32, #tpu.memory_space<vmem_shared>>) target(%dma_start3A_40 : memref<640x128xf32, #tpu.memory_space<hbm>>) target_semaphore(%run_scoped3A : memref<!tpu.dma_semaphore, #tpu.memory_space<semaphore_mem>>)
      %dma_wait3A = arith.constant 0 : i32
      %dma_wait3A_43 = tpu.memref_slice %arg5[%arg0, %mul3A_38, %dma_wait3A] : memref<2x10240x128xf32, #tpu.memory_space<hbm>> -> memref<1x640x128xf32, #tpu.memory_space<hbm>>
      %dma_wait3A_44 = tpu.memref_squeeze %dma_wait3A_43 : memref<1x640x128xf32, #tpu.memory_space<hbm>> -> memref<640x128xf32, #tpu.memory_space<hbm>>
      %dma_wait3A_45 = arith.constant 0 : i32
      %dma_wait3A_46 = tpu.memref_slice %arg10[%mul3A_36, %dma_wait3A_45] : memref<10240x128xf32, #tpu.memory_space<vmem_shared>> -> memref<640x128xf32, #tpu.memory_space<vmem_shared>>
      tpu.wait_dma2 semaphore(%run_scoped3A : memref<!tpu.dma_semaphore, #tpu.memory_space<semaphore_mem>>) src(%dma_wait3A_46 : memref<640x128xf32, #tpu.memory_space<vmem_shared>>) dst(%dma_wait3A_44 : memref<640x128xf32, #tpu.memory_space<hbm>>)
      tpu.yield
    }) : () -> ()
    return
  }
}

#map = affine_map<(d0, d1) -> (0, 0)>
#map1 = affine_map<(d0, d1) -> (0, 0, 0)>
module attributes {stable_mosaic.version = 14 : i64} {
  func.func @_agg_kernel(%arg0: i32, %arg1: i32, %arg2: memref<10240x128xf32, #tpu.memory_space<hbm>>, %arg3: memref<32x80x128xi32, #tpu.memory_space<hbm>>, %arg4: memref<32x80x128xi32, #tpu.memory_space<hbm>>, %arg5: memref<2x10240x128xf32, #tpu.memory_space<hbm>>, %arg6: memref<40x128xi32, #tpu.memory_space<vmem>>, %arg7: memref<40x128xi32, #tpu.memory_space<vmem>>, %arg8: memref<128x128xf32, #tpu.memory_space<vmem>>, %arg9: memref<128x128xf32, #tpu.memory_space<vmem>>, %arg10: memref<10240x128xf32, #tpu.memory_space<vmem_shared>>, %arg11: memref<!tpu.dma_semaphore, #tpu.memory_space<semaphore_mem>>, %arg12: memref<!tpu.dma_semaphore, #tpu.memory_space<semaphore_mem>>) attributes {dimension_semantics = [#tpu.dimension_semantics<core_parallel>, #tpu.dimension_semantics<subcore_parallel>], iteration_bounds = array<i64: 2, 16>, scalar_prefetch = 0 : i64, scratch_operands = 7 : i64, tpu.core_type = #tpu.core_type<sc_vector_subcore>, window_params = [{transform_indices = #map}, {transform_indices = #map1}, {transform_indices = #map1}, {transform_indices = #map1}]} {
    %mul3A = arith.constant 2 : i32
    %mul3A_0 = arith.muli %arg1, %mul3A : i32
    %add3A = arith.addi %mul3A_0, %arg0 : i32
    %scan3A = arith.constant 0 : i32
    %scan3A_1 = arith.constant 0 : i32
    %scan3A_2 = arith.constant 1024 : i32
    %scan3A_3 = arith.addi %scan3A_1, %scan3A_2 : i32
    %scan3A_4 = arith.constant 1 : i32
    %scan3A_5 = scf.for %scan3A_39 = %scan3A_1 to %scan3A_3 step %scan3A_4 iter_args(%scan3A_40 = %scan3A) -> (i32)  : i32 {
      %broadcast_in_dim3A = arith.constant 0.000000e+00 : f32
      %broadcast_in_dim3A_41 = vector.broadcast %broadcast_in_dim3A : f32 to vector<16xf32>
      %jit3A = arith.constant 8 : i32
      %div3A = arith.divsi %scan3A_39, %jit3A : i32
      %sign3A = arith.constant 0 : i32
      %sign3A_42 = arith.cmpi sgt, %scan3A_39, %sign3A : i32
      %sign3A_43 = arith.extui %sign3A_42 : i1 to i32
      %sign3A_44 = arith.constant 0 : i32
      %sign3A_45 = arith.cmpi slt, %scan3A_39, %sign3A_44 : i32
      %sign3A_46 = arith.extui %sign3A_45 : i1 to i32
      %sign3A_47 = arith.subi %sign3A_43, %sign3A_46 : i32
      %sign3A_48 = arith.constant 0 : i32
      %sign3A_49 = arith.cmpi sgt, %jit3A, %sign3A_48 : i32
      %sign3A_50 = arith.extui %sign3A_49 : i1 to i32
      %sign3A_51 = arith.constant 0 : i32
      %sign3A_52 = arith.cmpi slt, %jit3A, %sign3A_51 : i32
      %sign3A_53 = arith.extui %sign3A_52 : i1 to i32
      %sign3A_54 = arith.subi %sign3A_50, %sign3A_53 : i32
      %ne3A = arith.cmpi ne, %sign3A_47, %sign3A_54 : i32
      %rem3A = arith.remsi %scan3A_39, %jit3A : i32
      %ne3A_55 = arith.constant 0 : i32
      %ne3A_56 = arith.cmpi ne, %rem3A, %ne3A_55 : i32
      %and3A = arith.andi %ne3A, %ne3A_56 : i1
      %sub3A = arith.constant 1 : i32
      %sub3A_57 = arith.subi %div3A, %sub3A : i32
      %select_n3A = arith.select %and3A, %sub3A_57, %div3A : i32
      %jit3A_58 = arith.constant 8 : i32
      %eq3A = arith.constant 0 : i32
      %eq3A_59 = arith.cmpi eq, %jit3A_58, %eq3A : i32
      %jit3A_60 = arith.constant 1 : i32
      %select_n3A_61 = arith.select %eq3A_59, %jit3A_60, %jit3A_58 : i32
      %rem3A_62 = arith.remsi %scan3A_39, %select_n3A_61 : i32
      %ne3A_63 = arith.constant 0 : i32
      %ne3A_64 = arith.cmpi ne, %rem3A_62, %ne3A_63 : i32
      %lt3A = arith.constant 0 : i32
      %lt3A_65 = arith.cmpi slt, %rem3A_62, %lt3A : i32
      %lt3A_66 = arith.constant 0 : i32
      %lt3A_67 = arith.cmpi slt, %select_n3A_61, %lt3A_66 : i32
      %ne3A_68 = arith.xori %lt3A_65, %lt3A_67 : i1
      %and3A_69 = arith.andi %ne3A_68, %ne3A_64 : i1
      %add3A_70 = arith.addi %rem3A_62, %select_n3A_61 : i32
      %select_n3A_71 = arith.select %and3A_69, %add3A_70, %rem3A_62 : i32
      %mul3A_72 = arith.constant 16 : i32
      %mul3A_73 = arith.muli %select_n3A_71, %mul3A_72 : i32
      %swap3A = arith.index_cast %select_n3A : i32 to index
      %swap3A_74 = arith.index_cast %mul3A_73 : i32 to index
      %swap3A_75 = tpu.vector_load %arg8[%swap3A, %swap3A_74] {strides = array<i32>} : memref<128x128xf32, #tpu.memory_space<vmem>>, vector<1x16xf32>,
      %swap3A_76 = vector.shape_cast %swap3A_75 : vector<1x16xf32> to vector<16xf32>
      %swap3A_77 = vector.shape_cast %broadcast_in_dim3A_41 : vector<16xf32> to vector<1x16xf32>
      tpu.vector_store %arg8[%swap3A, %swap3A_74], %swap3A_77 {strides = array<i32>} : memref<128x128xf32, #tpu.memory_space<vmem>>, vector<1x16xf32>,
      %scan3A_78 = arith.constant 0 : i32
      scf.yield %scan3A_78 : i32
    }
    %scan3A_6 = arith.constant 1024 : i32
    %mul3A_7 = arith.constant 640 : i32
    %mul3A_8 = arith.muli %arg1, %mul3A_7 : i32
    %add3A_9 = arith.constant 0 : i32
    %add3A_10 = arith.addi %mul3A_8, %add3A_9 : i32
    "tpu.region"() ({
      %run_scoped3A = tpu.sem_alloc : memref<!tpu.dma_semaphore, #tpu.memory_space<semaphore_mem>>
      %dma_start3A = arith.constant 0 : i32
      %dma_start3A_39 = tpu.memref_slice %arg10[%add3A_10, %dma_start3A] : memref<10240x128xf32, #tpu.memory_space<vmem_shared>> -> memref<128x128xf32, #tpu.memory_space<vmem_shared>>
      %dma_start3A_40 = arith.constant 0 : i32
      %dma_start3A_41 = tpu.memref_slice %arg10[%add3A_10, %dma_start3A_40] : memref<10240x128xf32, #tpu.memory_space<vmem_shared>> -> memref<128x128xf32, #tpu.memory_space<vmem_shared>>
      tpu.enqueue_dma source(%arg8 : memref<128x128xf32, #tpu.memory_space<vmem>>) target(%dma_start3A_41 : memref<128x128xf32, #tpu.memory_space<vmem_shared>>) target_semaphore(%run_scoped3A : memref<!tpu.dma_semaphore, #tpu.memory_space<semaphore_mem>>)
      %dma_wait3A = arith.constant 0 : i32
      %dma_wait3A_42 = tpu.memref_slice %arg10[%add3A_10, %dma_wait3A] : memref<10240x128xf32, #tpu.memory_space<vmem_shared>> -> memref<128x128xf32, #tpu.memory_space<vmem_shared>>
      %dma_wait3A_43 = arith.constant 0 : i32
      %dma_wait3A_44 = tpu.memref_slice %arg10[%add3A_10, %dma_wait3A_43] : memref<10240x128xf32, #tpu.memory_space<vmem_shared>> -> memref<128x128xf32, #tpu.memory_space<vmem_shared>>
      tpu.wait_dma2 semaphore(%run_scoped3A : memref<!tpu.dma_semaphore, #tpu.memory_space<semaphore_mem>>) src(%arg8 : memref<128x128xf32, #tpu.memory_space<vmem>>) dst(%dma_wait3A_44 : memref<128x128xf32, #tpu.memory_space<vmem_shared>>)
      tpu.yield
    }) : () -> ()
    %mul3A_11 = arith.constant 640 : i32
    %mul3A_12 = arith.muli %arg1, %mul3A_11 : i32
    %add3A_13 = arith.constant 128 : i32
    %add3A_14 = arith.addi %mul3A_12, %add3A_13 : i32
    "tpu.region"() ({
      %run_scoped3A = tpu.sem_alloc : memref<!tpu.dma_semaphore, #tpu.memory_space<semaphore_mem>>
      %dma_start3A = arith.constant 0 : i32
      %dma_start3A_39 = tpu.memref_slice %arg10[%add3A_14, %dma_start3A] : memref<10240x128xf32, #tpu.memory_space<vmem_shared>> -> memref<128x128xf32, #tpu.memory_space<vmem_shared>>
      %dma_start3A_40 = arith.constant 0 : i32
      %dma_start3A_41 = tpu.memref_slice %arg10[%add3A_14, %dma_start3A_40] : memref<10240x128xf32, #tpu.memory_space<vmem_shared>> -> memref<128x128xf32, #tpu.memory_space<vmem_shared>>
      tpu.enqueue_dma source(%arg8 : memref<128x128xf32, #tpu.memory_space<vmem>>) target(%dma_start3A_41 : memref<128x128xf32, #tpu.memory_space<vmem_shared>>) target_semaphore(%run_scoped3A : memref<!tpu.dma_semaphore, #tpu.memory_space<semaphore_mem>>)
      %dma_wait3A = arith.constant 0 : i32
      %dma_wait3A_42 = tpu.memref_slice %arg10[%add3A_14, %dma_wait3A] : memref<10240x128xf32, #tpu.memory_space<vmem_shared>> -> memref<128x128xf32, #tpu.memory_space<vmem_shared>>
      %dma_wait3A_43 = arith.constant 0 : i32
      %dma_wait3A_44 = tpu.memref_slice %arg10[%add3A_14, %dma_wait3A_43] : memref<10240x128xf32, #tpu.memory_space<vmem_shared>> -> memref<128x128xf32, #tpu.memory_space<vmem_shared>>
      tpu.wait_dma2 semaphore(%run_scoped3A : memref<!tpu.dma_semaphore, #tpu.memory_space<semaphore_mem>>) src(%arg8 : memref<128x128xf32, #tpu.memory_space<vmem>>) dst(%dma_wait3A_44 : memref<128x128xf32, #tpu.memory_space<vmem_shared>>)
      tpu.yield
    }) : () -> ()
    %mul3A_15 = arith.constant 640 : i32
    %mul3A_16 = arith.muli %arg1, %mul3A_15 : i32
    %add3A_17 = arith.constant 256 : i32
    %add3A_18 = arith.addi %mul3A_16, %add3A_17 : i32
    "tpu.region"() ({
      %run_scoped3A = tpu.sem_alloc : memref<!tpu.dma_semaphore, #tpu.memory_space<semaphore_mem>>
      %dma_start3A = arith.constant 0 : i32
      %dma_start3A_39 = tpu.memref_slice %arg10[%add3A_18, %dma_start3A] : memref<10240x128xf32, #tpu.memory_space<vmem_shared>> -> memref<128x128xf32, #tpu.memory_space<vmem_shared>>
      %dma_start3A_40 = arith.constant 0 : i32
      %dma_start3A_41 = tpu.memref_slice %arg10[%add3A_18, %dma_start3A_40] : memref<10240x128xf32, #tpu.memory_space<vmem_shared>> -> memref<128x128xf32, #tpu.memory_space<vmem_shared>>
      tpu.enqueue_dma source(%arg8 : memref<128x128xf32, #tpu.memory_space<vmem>>) target(%dma_start3A_41 : memref<128x128xf32, #tpu.memory_space<vmem_shared>>) target_semaphore(%run_scoped3A : memref<!tpu.dma_semaphore, #tpu.memory_space<semaphore_mem>>)
      %dma_wait3A = arith.constant 0 : i32
      %dma_wait3A_42 = tpu.memref_slice %arg10[%add3A_18, %dma_wait3A] : memref<10240x128xf32, #tpu.memory_space<vmem_shared>> -> memref<128x128xf32, #tpu.memory_space<vmem_shared>>
      %dma_wait3A_43 = arith.constant 0 : i32
      %dma_wait3A_44 = tpu.memref_slice %arg10[%add3A_18, %dma_wait3A_43] : memref<10240x128xf32, #tpu.memory_space<vmem_shared>> -> memref<128x128xf32, #tpu.memory_space<vmem_shared>>
      tpu.wait_dma2 semaphore(%run_scoped3A : memref<!tpu.dma_semaphore, #tpu.memory_space<semaphore_mem>>) src(%arg8 : memref<128x128xf32, #tpu.memory_space<vmem>>) dst(%dma_wait3A_44 : memref<128x128xf32, #tpu.memory_space<vmem_shared>>)
      tpu.yield
    }) : () -> ()
    %mul3A_19 = arith.constant 640 : i32
    %mul3A_20 = arith.muli %arg1, %mul3A_19 : i32
    %add3A_21 = arith.constant 384 : i32
    %add3A_22 = arith.addi %mul3A_20, %add3A_21 : i32
    "tpu.region"() ({
      %run_scoped3A = tpu.sem_alloc : memref<!tpu.dma_semaphore, #tpu.memory_space<semaphore_mem>>
      %dma_start3A = arith.constant 0 : i32
      %dma_start3A_39 = tpu.memref_slice %arg10[%add3A_22, %dma_start3A] : memref<10240x128xf32, #tpu.memory_space<vmem_shared>> -> memref<128x128xf32, #tpu.memory_space<vmem_shared>>
      %dma_start3A_40 = arith.constant 0 : i32
      %dma_start3A_41 = tpu.memref_slice %arg10[%add3A_22, %dma_start3A_40] : memref<10240x128xf32, #tpu.memory_space<vmem_shared>> -> memref<128x128xf32, #tpu.memory_space<vmem_shared>>
      tpu.enqueue_dma source(%arg8 : memref<128x128xf32, #tpu.memory_space<vmem>>) target(%dma_start3A_41 : memref<128x128xf32, #tpu.memory_space<vmem_shared>>) target_semaphore(%run_scoped3A : memref<!tpu.dma_semaphore, #tpu.memory_space<semaphore_mem>>)
      %dma_wait3A = arith.constant 0 : i32
      %dma_wait3A_42 = tpu.memref_slice %arg10[%add3A_22, %dma_wait3A] : memref<10240x128xf32, #tpu.memory_space<vmem_shared>> -> memref<128x128xf32, #tpu.memory_space<vmem_shared>>
      %dma_wait3A_43 = arith.constant 0 : i32
      %dma_wait3A_44 = tpu.memref_slice %arg10[%add3A_22, %dma_wait3A_43] : memref<10240x128xf32, #tpu.memory_space<vmem_shared>> -> memref<128x128xf32, #tpu.memory_space<vmem_shared>>
      tpu.wait_dma2 semaphore(%run_scoped3A : memref<!tpu.dma_semaphore, #tpu.memory_space<semaphore_mem>>) src(%arg8 : memref<128x128xf32, #tpu.memory_space<vmem>>) dst(%dma_wait3A_44 : memref<128x128xf32, #tpu.memory_space<vmem_shared>>)
      tpu.yield
    }) : () -> ()
    %mul3A_23 = arith.constant 640 : i32
    %mul3A_24 = arith.muli %arg1, %mul3A_23 : i32
    %add3A_25 = arith.constant 512 : i32
    %add3A_26 = arith.addi %mul3A_24, %add3A_25 : i32
    "tpu.region"() ({
      %run_scoped3A = tpu.sem_alloc : memref<!tpu.dma_semaphore, #tpu.memory_space<semaphore_mem>>
      %dma_start3A = arith.constant 0 : i32
      %dma_start3A_39 = tpu.memref_slice %arg10[%add3A_26, %dma_start3A] : memref<10240x128xf32, #tpu.memory_space<vmem_shared>> -> memref<128x128xf32, #tpu.memory_space<vmem_shared>>
      %dma_start3A_40 = arith.constant 0 : i32
      %dma_start3A_41 = tpu.memref_slice %arg10[%add3A_26, %dma_start3A_40] : memref<10240x128xf32, #tpu.memory_space<vmem_shared>> -> memref<128x128xf32, #tpu.memory_space<vmem_shared>>
      tpu.enqueue_dma source(%arg8 : memref<128x128xf32, #tpu.memory_space<vmem>>) target(%dma_start3A_41 : memref<128x128xf32, #tpu.memory_space<vmem_shared>>) target_semaphore(%run_scoped3A : memref<!tpu.dma_semaphore, #tpu.memory_space<semaphore_mem>>)
      %dma_wait3A = arith.constant 0 : i32
      %dma_wait3A_42 = tpu.memref_slice %arg10[%add3A_26, %dma_wait3A] : memref<10240x128xf32, #tpu.memory_space<vmem_shared>> -> memref<128x128xf32, #tpu.memory_space<vmem_shared>>
      %dma_wait3A_43 = arith.constant 0 : i32
      %dma_wait3A_44 = tpu.memref_slice %arg10[%add3A_26, %dma_wait3A_43] : memref<10240x128xf32, #tpu.memory_space<vmem_shared>> -> memref<128x128xf32, #tpu.memory_space<vmem_shared>>
      tpu.wait_dma2 semaphore(%run_scoped3A : memref<!tpu.dma_semaphore, #tpu.memory_space<semaphore_mem>>) src(%arg8 : memref<128x128xf32, #tpu.memory_space<vmem>>) dst(%dma_wait3A_44 : memref<128x128xf32, #tpu.memory_space<vmem_shared>>)
      tpu.yield
    }) : () -> ()
    %barrier3A = arith.constant 0 : index
    tpu.barrier barrier_id(%barrier3A)
    %scan3A_27 = arith.constant 0 : i32
    %scan3A_28 = arith.constant 0 : i32
    %scan3A_29 = arith.constant 2 : i32
    %scan3A_30 = arith.addi %scan3A_28, %scan3A_29 : i32
    %scan3A_31 = arith.constant 1 : i32
    %scan3A_32 = scf.for %scan3A_39 = %scan3A_28 to %scan3A_30 step %scan3A_31 iter_args(%scan3A_40 = %scan3A_27) -> (i32)  : i32 {
      %mul3A_41 = arith.constant 40 : i32
      %mul3A_42 = arith.muli %scan3A_39, %mul3A_41 : i32
      "tpu.region"() ({
        %run_scoped3A = tpu.sem_alloc : memref<!tpu.dma_semaphore, #tpu.memory_space<semaphore_mem>>
        %dma_start3A_66 = arith.constant 0 : i32
        %dma_start3A_67 = tpu.memref_slice %arg3[%add3A, %mul3A_42, %dma_start3A_66] : memref<32x80x128xi32, #tpu.memory_space<hbm>> -> memref<1x40x128xi32, #tpu.memory_space<hbm>>
        %dma_start3A_68 = tpu.memref_squeeze %dma_start3A_67 : memref<1x40x128xi32, #tpu.memory_space<hbm>> -> memref<40x128xi32, #tpu.memory_space<hbm>>
        %dma_start3A_69 = arith.constant 0 : i32
        %dma_start3A_70 = tpu.memref_slice %arg3[%add3A, %mul3A_42, %dma_start3A_69] : memref<32x80x128xi32, #tpu.memory_space<hbm>> -> memref<1x40x128xi32, #tpu.memory_space<hbm>>
        %dma_start3A_71 = tpu.memref_squeeze %dma_start3A_70 : memref<1x40x128xi32, #tpu.memory_space<hbm>> -> memref<40x128xi32, #tpu.memory_space<hbm>>
        tpu.enqueue_dma source(%dma_start3A_71 : memref<40x128xi32, #tpu.memory_space<hbm>>) target(%arg6 : memref<40x128xi32, #tpu.memory_space<vmem>>) target_semaphore(%run_scoped3A : memref<!tpu.dma_semaphore, #tpu.memory_space<semaphore_mem>>)
        %dma_wait3A = arith.constant 0 : i32
        %dma_wait3A_72 = tpu.memref_slice %arg3[%add3A, %mul3A_42, %dma_wait3A] : memref<32x80x128xi32, #tpu.memory_space<hbm>> -> memref<1x40x128xi32, #tpu.memory_space<hbm>>
        %dma_wait3A_73 = tpu.memref_squeeze %dma_wait3A_72 : memref<1x40x128xi32, #tpu.memory_space<hbm>> -> memref<40x128xi32, #tpu.memory_space<hbm>>
        %dma_wait3A_74 = arith.constant 0 : i32
        %dma_wait3A_75 = tpu.memref_slice %arg3[%add3A, %mul3A_42, %dma_wait3A_74] : memref<32x80x128xi32, #tpu.memory_space<hbm>> -> memref<1x40x128xi32, #tpu.memory_space<hbm>>
        %dma_wait3A_76 = tpu.memref_squeeze %dma_wait3A_75 : memref<1x40x128xi32, #tpu.memory_space<hbm>> -> memref<40x128xi32, #tpu.memory_space<hbm>>
        tpu.wait_dma2 semaphore(%run_scoped3A : memref<!tpu.dma_semaphore, #tpu.memory_space<semaphore_mem>>) src(%dma_wait3A_76 : memref<40x128xi32, #tpu.memory_space<hbm>>) dst(%arg6 : memref<40x128xi32, #tpu.memory_space<vmem>>)
        tpu.yield
      }) : () -> ()
      %mul3A_43 = arith.constant 40 : i32
      %mul3A_44 = arith.muli %scan3A_39, %mul3A_43 : i32
      "tpu.region"() ({
        %run_scoped3A = tpu.sem_alloc : memref<!tpu.dma_semaphore, #tpu.memory_space<semaphore_mem>>
        %dma_start3A_66 = arith.constant 0 : i32
        %dma_start3A_67 = tpu.memref_slice %arg4[%add3A, %mul3A_44, %dma_start3A_66] : memref<32x80x128xi32, #tpu.memory_space<hbm>> -> memref<1x40x128xi32, #tpu.memory_space<hbm>>
        %dma_start3A_68 = tpu.memref_squeeze %dma_start3A_67 : memref<1x40x128xi32, #tpu.memory_space<hbm>> -> memref<40x128xi32, #tpu.memory_space<hbm>>
        %dma_start3A_69 = arith.constant 0 : i32
        %dma_start3A_70 = tpu.memref_slice %arg4[%add3A, %mul3A_44, %dma_start3A_69] : memref<32x80x128xi32, #tpu.memory_space<hbm>> -> memref<1x40x128xi32, #tpu.memory_space<hbm>>
        %dma_start3A_71 = tpu.memref_squeeze %dma_start3A_70 : memref<1x40x128xi32, #tpu.memory_space<hbm>> -> memref<40x128xi32, #tpu.memory_space<hbm>>
        tpu.enqueue_dma source(%dma_start3A_71 : memref<40x128xi32, #tpu.memory_space<hbm>>) target(%arg7 : memref<40x128xi32, #tpu.memory_space<vmem>>) target_semaphore(%run_scoped3A : memref<!tpu.dma_semaphore, #tpu.memory_space<semaphore_mem>>)
        %dma_wait3A = arith.constant 0 : i32
        %dma_wait3A_72 = tpu.memref_slice %arg4[%add3A, %mul3A_44, %dma_wait3A] : memref<32x80x128xi32, #tpu.memory_space<hbm>> -> memref<1x40x128xi32, #tpu.memory_space<hbm>>
        %dma_wait3A_73 = tpu.memref_squeeze %dma_wait3A_72 : memref<1x40x128xi32, #tpu.memory_space<hbm>> -> memref<40x128xi32, #tpu.memory_space<hbm>>
        %dma_wait3A_74 = arith.constant 0 : i32
        %dma_wait3A_75 = tpu.memref_slice %arg4[%add3A, %mul3A_44, %dma_wait3A_74] : memref<32x80x128xi32, #tpu.memory_space<hbm>> -> memref<1x40x128xi32, #tpu.memory_space<hbm>>
        %dma_wait3A_76 = tpu.memref_squeeze %dma_wait3A_75 : memref<1x40x128xi32, #tpu.memory_space<hbm>> -> memref<40x128xi32, #tpu.memory_space<hbm>>
        tpu.wait_dma2 semaphore(%run_scoped3A : memref<!tpu.dma_semaphore, #tpu.memory_space<semaphore_mem>>) src(%dma_wait3A_76 : memref<40x128xi32, #tpu.memory_space<hbm>>) dst(%arg7 : memref<40x128xi32, #tpu.memory_space<vmem>>)
        tpu.yield
      }) : () -> ()
      %dma_start3A = arith.constant 0 : i32
      %dma_start3A_45 = arith.constant 0 : i32
      %dma_start3A_46 = tpu.memref_slice %arg6[%dma_start3A, %dma_start3A_45] : memref<40x128xi32, #tpu.memory_space<vmem>> -> memref<1x128xi32, #tpu.memory_space<vmem>>
      %dma_start3A_47 = tpu.memref_squeeze %dma_start3A_46 : memref<1x128xi32, #tpu.memory_space<vmem>> -> memref<128xi32, #tpu.memory_space<vmem>>
      %dma_start3A_48 = arith.constant 0 : i32
      %dma_start3A_49 = arith.constant 0 : i32
      %dma_start3A_50 = tpu.memref_slice %arg2[%dma_start3A_48, %dma_start3A_49] : memref<10240x128xf32, #tpu.memory_space<hbm>> -> memref<10240x128xf32, #tpu.memory_space<hbm>>
      tpu.enqueue_indirect_dma source(%dma_start3A_50 : memref<10240x128xf32, #tpu.memory_space<hbm>>) target(%arg8 : memref<128x128xf32, #tpu.memory_space<vmem>>) offsets(%dma_start3A_47 : memref<128xi32, #tpu.memory_space<vmem>>) semaphore(%arg11 : memref<!tpu.dma_semaphore, #tpu.memory_space<semaphore_mem>>)
      %dma_start3A_51 = arith.constant 1 : i32
      %dma_start3A_52 = arith.constant 0 : i32
      %dma_start3A_53 = tpu.memref_slice %arg6[%dma_start3A_51, %dma_start3A_52] : memref<40x128xi32, #tpu.memory_space<vmem>> -> memref<1x128xi32, #tpu.memory_space<vmem>>
      %dma_start3A_54 = tpu.memref_squeeze %dma_start3A_53 : memref<1x128xi32, #tpu.memory_space<vmem>> -> memref<128xi32, #tpu.memory_space<vmem>>
      %dma_start3A_55 = arith.constant 0 : i32
      %dma_start3A_56 = arith.constant 0 : i32
      %dma_start3A_57 = tpu.memref_slice %arg2[%dma_start3A_55, %dma_start3A_56] : memref<10240x128xf32, #tpu.memory_space<hbm>> -> memref<10240x128xf32, #tpu.memory_space<hbm>>
      tpu.enqueue_indirect_dma source(%dma_start3A_57 : memref<10240x128xf32, #tpu.memory_space<hbm>>) target(%arg9 : memref<128x128xf32, #tpu.memory_space<vmem>>) offsets(%dma_start3A_54 : memref<128xi32, #tpu.memory_space<vmem>>) semaphore(%arg12 : memref<!tpu.dma_semaphore, #tpu.memory_space<semaphore_mem>>)
      %scan3A_58 = arith.constant 0 : i32
      %scan3A_59 = arith.constant 0 : i32
      %scan3A_60 = arith.constant 20 : i32
      %scan3A_61 = arith.addi %scan3A_59, %scan3A_60 : i32
      %scan3A_62 = arith.constant 1 : i32
      %scan3A_63 = scf.for %scan3A_66 = %scan3A_59 to %scan3A_61 step %scan3A_62 iter_args(%scan3A_67 = %scan3A_58) -> (i32)  : i32 {
        %mul3A_68 = arith.constant 2 : i32
        %mul3A_69 = arith.muli %mul3A_68, %scan3A_66 : i32
        %dma_wait3A = arith.constant 0 : i32
        %dma_wait3A_70 = tpu.memref_slice %arg6[%mul3A_69, %dma_wait3A] : memref<40x128xi32, #tpu.memory_space<vmem>> -> memref<1x128xi32, #tpu.memory_space<vmem>>
        %dma_wait3A_71 = tpu.memref_squeeze %dma_wait3A_70 : memref<1x128xi32, #tpu.memory_space<vmem>> -> memref<128xi32, #tpu.memory_space<vmem>>
        %dma_wait3A_72 = arith.constant 0 : i32
        %dma_wait3A_73 = arith.constant 0 : i32
        %dma_wait3A_74 = tpu.memref_slice %arg2[%dma_wait3A_72, %dma_wait3A_73] : memref<10240x128xf32, #tpu.memory_space<hbm>> -> memref<10240x128xf32, #tpu.memory_space<hbm>>
        tpu.wait_indirect_dma semaphore(%arg11 : memref<!tpu.dma_semaphore, #tpu.memory_space<semaphore_mem>>) src(%dma_wait3A_74 : memref<10240x128xf32, #tpu.memory_space<hbm>>) dst(%arg8 : memref<128x128xf32, #tpu.memory_space<vmem>>)
        "tpu.region"() ({
          %run_scoped3A = tpu.sem_alloc : memref<!tpu.dma_semaphore, #tpu.memory_space<semaphore_mem>>
          %dma_start3A_93 = arith.constant 0 : i32
          %dma_start3A_94 = tpu.memref_slice %arg7[%mul3A_69, %dma_start3A_93] : memref<40x128xi32, #tpu.memory_space<vmem>> -> memref<1x128xi32, #tpu.memory_space<vmem>>
          %dma_start3A_95 = tpu.memref_squeeze %dma_start3A_94 : memref<1x128xi32, #tpu.memory_space<vmem>> -> memref<128xi32, #tpu.memory_space<vmem>>
          %dma_start3A_96 = arith.constant 0 : i32
          %dma_start3A_97 = arith.constant 0 : i32
          %dma_start3A_98 = tpu.memref_slice %arg10[%dma_start3A_96, %dma_start3A_97] : memref<10240x128xf32, #tpu.memory_space<vmem_shared>> -> memref<10240x128xf32, #tpu.memory_space<vmem_shared>>
          tpu.enqueue_indirect_dma source(%arg8 : memref<128x128xf32, #tpu.memory_space<vmem>>) target(%dma_start3A_98 : memref<10240x128xf32, #tpu.memory_space<vmem_shared>>) offsets(%dma_start3A_95 : memref<128xi32, #tpu.memory_space<vmem>>) semaphore(%run_scoped3A : memref<!tpu.dma_semaphore, #tpu.memory_space<semaphore_mem>>) {add = true}
          %dma_wait3A_99 = arith.constant 0 : i32
          %dma_wait3A_100 = tpu.memref_slice %arg7[%mul3A_69, %dma_wait3A_99] : memref<40x128xi32, #tpu.memory_space<vmem>> -> memref<1x128xi32, #tpu.memory_space<vmem>>
          %dma_wait3A_101 = tpu.memref_squeeze %dma_wait3A_100 : memref<1x128xi32, #tpu.memory_space<vmem>> -> memref<128xi32, #tpu.memory_space<vmem>>
          %dma_wait3A_102 = arith.constant 0 : i32
          %dma_wait3A_103 = arith.constant 0 : i32
          %dma_wait3A_104 = tpu.memref_slice %arg10[%dma_wait3A_102, %dma_wait3A_103] : memref<10240x128xf32, #tpu.memory_space<vmem_shared>> -> memref<10240x128xf32, #tpu.memory_space<vmem_shared>>
          tpu.wait_indirect_dma semaphore(%run_scoped3A : memref<!tpu.dma_semaphore, #tpu.memory_space<semaphore_mem>>) src(%arg8 : memref<128x128xf32, #tpu.memory_space<vmem>>) dst(%dma_wait3A_104 : memref<10240x128xf32, #tpu.memory_space<vmem_shared>>)
          tpu.yield
        }) : () -> ()
        %lt3A = arith.constant 19 : i32
        %lt3A_75 = arith.cmpi slt, %scan3A_66, %lt3A : i32
        %convert_element_type3A = arith.extui %lt3A_75 : i1 to i32
        %cond3A = arith.constant 0 : i32
        %cond3A_76 = arith.cmpi ne, %convert_element_type3A, %cond3A : i32
        scf.if %cond3A_76 {
          %add3A_93 = arith.constant 2 : i32
          %add3A_94 = arith.addi %mul3A_69, %add3A_93 : i32
          %dma_start3A_95 = arith.constant 0 : i32
          %dma_start3A_96 = tpu.memref_slice %arg6[%add3A_94, %dma_start3A_95] : memref<40x128xi32, #tpu.memory_space<vmem>> -> memref<1x128xi32, #tpu.memory_space<vmem>>
          %dma_start3A_97 = tpu.memref_squeeze %dma_start3A_96 : memref<1x128xi32, #tpu.memory_space<vmem>> -> memref<128xi32, #tpu.memory_space<vmem>>
          %dma_start3A_98 = arith.constant 0 : i32
          %dma_start3A_99 = arith.constant 0 : i32
          %dma_start3A_100 = tpu.memref_slice %arg2[%dma_start3A_98, %dma_start3A_99] : memref<10240x128xf32, #tpu.memory_space<hbm>> -> memref<10240x128xf32, #tpu.memory_space<hbm>>
          tpu.enqueue_indirect_dma source(%dma_start3A_100 : memref<10240x128xf32, #tpu.memory_space<hbm>>) target(%arg8 : memref<128x128xf32, #tpu.memory_space<vmem>>) offsets(%dma_start3A_97 : memref<128xi32, #tpu.memory_space<vmem>>) semaphore(%arg11 : memref<!tpu.dma_semaphore, #tpu.memory_space<semaphore_mem>>)
        } else {
        }
        %add3A_77 = arith.constant 1 : i32
        %add3A_78 = arith.addi %mul3A_69, %add3A_77 : i32
        %dma_wait3A_79 = arith.constant 0 : i32
        %dma_wait3A_80 = tpu.memref_slice %arg6[%add3A_78, %dma_wait3A_79] : memref<40x128xi32, #tpu.memory_space<vmem>> -> memref<1x128xi32, #tpu.memory_space<vmem>>
        %dma_wait3A_81 = tpu.memref_squeeze %dma_wait3A_80 : memref<1x128xi32, #tpu.memory_space<vmem>> -> memref<128xi32, #tpu.memory_space<vmem>>
        %dma_wait3A_82 = arith.constant 0 : i32
        %dma_wait3A_83 = arith.constant 0 : i32
        %dma_wait3A_84 = tpu.memref_slice %arg2[%dma_wait3A_82, %dma_wait3A_83] : memref<10240x128xf32, #tpu.memory_space<hbm>> -> memref<10240x128xf32, #tpu.memory_space<hbm>>
        tpu.wait_indirect_dma semaphore(%arg12 : memref<!tpu.dma_semaphore, #tpu.memory_space<semaphore_mem>>) src(%dma_wait3A_84 : memref<10240x128xf32, #tpu.memory_space<hbm>>) dst(%arg9 : memref<128x128xf32, #tpu.memory_space<vmem>>)
        %add3A_85 = arith.constant 1 : i32
        %add3A_86 = arith.addi %mul3A_69, %add3A_85 : i32
        "tpu.region"() ({
          %run_scoped3A = tpu.sem_alloc : memref<!tpu.dma_semaphore, #tpu.memory_space<semaphore_mem>>
          %dma_start3A_93 = arith.constant 0 : i32
          %dma_start3A_94 = tpu.memref_slice %arg7[%add3A_86, %dma_start3A_93] : memref<40x128xi32, #tpu.memory_space<vmem>> -> memref<1x128xi32, #tpu.memory_space<vmem>>
          %dma_start3A_95 = tpu.memref_squeeze %dma_start3A_94 : memref<1x128xi32, #tpu.memory_space<vmem>> -> memref<128xi32, #tpu.memory_space<vmem>>
          %dma_start3A_96 = arith.constant 0 : i32
          %dma_start3A_97 = arith.constant 0 : i32
          %dma_start3A_98 = tpu.memref_slice %arg10[%dma_start3A_96, %dma_start3A_97] : memref<10240x128xf32, #tpu.memory_space<vmem_shared>> -> memref<10240x128xf32, #tpu.memory_space<vmem_shared>>
          tpu.enqueue_indirect_dma source(%arg9 : memref<128x128xf32, #tpu.memory_space<vmem>>) target(%dma_start3A_98 : memref<10240x128xf32, #tpu.memory_space<vmem_shared>>) offsets(%dma_start3A_95 : memref<128xi32, #tpu.memory_space<vmem>>) semaphore(%run_scoped3A : memref<!tpu.dma_semaphore, #tpu.memory_space<semaphore_mem>>) {add = true}
          %dma_wait3A_99 = arith.constant 0 : i32
          %dma_wait3A_100 = tpu.memref_slice %arg7[%add3A_86, %dma_wait3A_99] : memref<40x128xi32, #tpu.memory_space<vmem>> -> memref<1x128xi32, #tpu.memory_space<vmem>>
          %dma_wait3A_101 = tpu.memref_squeeze %dma_wait3A_100 : memref<1x128xi32, #tpu.memory_space<vmem>> -> memref<128xi32, #tpu.memory_space<vmem>>
          %dma_wait3A_102 = arith.constant 0 : i32
          %dma_wait3A_103 = arith.constant 0 : i32
          %dma_wait3A_104 = tpu.memref_slice %arg10[%dma_wait3A_102, %dma_wait3A_103] : memref<10240x128xf32, #tpu.memory_space<vmem_shared>> -> memref<10240x128xf32, #tpu.memory_space<vmem_shared>>
          tpu.wait_indirect_dma semaphore(%run_scoped3A : memref<!tpu.dma_semaphore, #tpu.memory_space<semaphore_mem>>) src(%arg9 : memref<128x128xf32, #tpu.memory_space<vmem>>) dst(%dma_wait3A_104 : memref<10240x128xf32, #tpu.memory_space<vmem_shared>>)
          tpu.yield
        }) : () -> ()
        %lt3A_87 = arith.constant 19 : i32
        %lt3A_88 = arith.cmpi slt, %scan3A_66, %lt3A_87 : i32
        %convert_element_type3A_89 = arith.extui %lt3A_88 : i1 to i32
        %cond3A_90 = arith.constant 0 : i32
        %cond3A_91 = arith.cmpi ne, %convert_element_type3A_89, %cond3A_90 : i32
        scf.if %cond3A_91 {
          %add3A_93 = arith.constant 3 : i32
          %add3A_94 = arith.addi %mul3A_69, %add3A_93 : i32
          %dma_start3A_95 = arith.constant 0 : i32
          %dma_start3A_96 = tpu.memref_slice %arg6[%add3A_94, %dma_start3A_95] : memref<40x128xi32, #tpu.memory_space<vmem>> -> memref<1x128xi32, #tpu.memory_space<vmem>>
          %dma_start3A_97 = tpu.memref_squeeze %dma_start3A_96 : memref<1x128xi32, #tpu.memory_space<vmem>> -> memref<128xi32, #tpu.memory_space<vmem>>
          %dma_start3A_98 = arith.constant 0 : i32
          %dma_start3A_99 = arith.constant 0 : i32
          %dma_start3A_100 = tpu.memref_slice %arg2[%dma_start3A_98, %dma_start3A_99] : memref<10240x128xf32, #tpu.memory_space<hbm>> -> memref<10240x128xf32, #tpu.memory_space<hbm>>
          tpu.enqueue_indirect_dma source(%dma_start3A_100 : memref<10240x128xf32, #tpu.memory_space<hbm>>) target(%arg9 : memref<128x128xf32, #tpu.memory_space<vmem>>) offsets(%dma_start3A_97 : memref<128xi32, #tpu.memory_space<vmem>>) semaphore(%arg12 : memref<!tpu.dma_semaphore, #tpu.memory_space<semaphore_mem>>)
        } else {
        }
        %scan3A_92 = arith.constant 0 : i32
        scf.yield %scan3A_92 : i32
      }
      %scan3A_64 = arith.constant 20 : i32
      %scan3A_65 = arith.constant 0 : i32
      scf.yield %scan3A_65 : i32
    }
    %scan3A_33 = arith.constant 2 : i32
    %barrier3A_34 = arith.constant 0 : index
    tpu.barrier barrier_id(%barrier3A_34)
    %mul3A_35 = arith.constant 640 : i32
    %mul3A_36 = arith.muli %arg1, %mul3A_35 : i32
    %mul3A_37 = arith.constant 640 : i32
    %mul3A_38 = arith.muli %arg1, %mul3A_37 : i32
    "tpu.region"() ({
      %run_scoped3A = tpu.sem_alloc : memref<!tpu.dma_semaphore, #tpu.memory_space<semaphore_mem>>
      %dma_start3A = arith.constant 0 : i32
      %dma_start3A_39 = tpu.memref_slice %arg5[%arg0, %mul3A_38, %dma_start3A] : memref<2x10240x128xf32, #tpu.memory_space<hbm>> -> memref<1x640x128xf32, #tpu.memory_space<hbm>>
      %dma_start3A_40 = tpu.memref_squeeze %dma_start3A_39 : memref<1x640x128xf32, #tpu.memory_space<hbm>> -> memref<640x128xf32, #tpu.memory_space<hbm>>
      %dma_start3A_41 = arith.constant 0 : i32
      %dma_start3A_42 = tpu.memref_slice %arg10[%mul3A_36, %dma_start3A_41] : memref<10240x128xf32, #tpu.memory_space<vmem_shared>> -> memref<640x128xf32, #tpu.memory_space<vmem_shared>>
      tpu.enqueue_dma source(%dma_start3A_42 : memref<640x128xf32, #tpu.memory_space<vmem_shared>>) target(%dma_start3A_40 : memref<640x128xf32, #tpu.memory_space<hbm>>) target_semaphore(%run_scoped3A : memref<!tpu.dma_semaphore, #tpu.memory_space<semaphore_mem>>)
      %dma_wait3A = arith.constant 0 : i32
      %dma_wait3A_43 = tpu.memref_slice %arg5[%arg0, %mul3A_38, %dma_wait3A] : memref<2x10240x128xf32, #tpu.memory_space<hbm>> -> memref<1x640x128xf32, #tpu.memory_space<hbm>>
      %dma_wait3A_44 = tpu.memref_squeeze %dma_wait3A_43 : memref<1x640x128xf32, #tpu.memory_space<hbm>> -> memref<640x128xf32, #tpu.memory_space<hbm>>
      %dma_wait3A_45 = arith.constant 0 : i32
      %dma_wait3A_46 = tpu.memref_slice %arg10[%mul3A_36, %dma_wait3A_45] : memref<10240x128xf32, #tpu.memory_space<vmem_shared>> -> memref<640x128xf32, #tpu.memory_space<vmem_shared>>
      tpu.wait_dma2 semaphore(%run_scoped3A : memref<!tpu.dma_semaphore, #tpu.memory_space<semaphore_mem>>) src(%dma_wait3A_46 : memref<640x128xf32, #tpu.memory_space<vmem_shared>>) dst(%dma_wait3A_44 : memref<640x128xf32, #tpu.memory_space<hbm>>)
      tpu.yield
    }) : () -> ()
    return
  }
}

module attributes {stable_mosaic.version = 14 : i64} {
  func.func @_tc_mm_body(%arg0: i32, %arg1: memref<1000x128xf32, #tpu.memory_space<vmem>>, %arg2: memref<128x128xf32, #tpu.memory_space<vmem>>, %arg3: memref<1000x128xf32, #tpu.memory_space<vmem>>) attributes {dimension_semantics = [#tpu.dimension_semantics<arbitrary>], iteration_bounds = array<i64: 10>, scalar_prefetch = 0 : i64, scratch_operands = 0 : i64, tpu.core_type = #tpu.core_type<tc>, window_params = [{transform_indices = @transform_0, window_bounds = array<i64: 1000, 128>}, {pipeline_mode = #tpu.pipeline_mode<synchronous>, transform_indices = @transform_1, window_bounds = array<i64: 128, 128>}, {transform_indices = @transform_2, window_bounds = array<i64: 1000, 128>}]} {
    %get3A = arith.constant 0 : index
    %get3A_0 = arith.constant 0 : index
    %get3A_1 = vector.load %arg1[%get3A, %get3A_0] : memref<1000x128xf32, #tpu.memory_space<vmem>>, vector<1000x128xf32>
    %get3A_2 = arith.constant 0 : index
    %get3A_3 = arith.constant 0 : index
    %get3A_4 = vector.load %arg2[%get3A_2, %get3A_3] : memref<128x128xf32, #tpu.memory_space<vmem>>, vector<128x128xf32>
    %dot_general3A = arith.constant dense<0.000000e+00> : vector<1000x128xf32>
    %dot_general3A_5 = tpu.matmul %get3A_1, %get3A_4, %dot_general3A {dimension_numbers = #tpu.dot_dimension_numbers<[1], [0], [0], [1], [0, 0, 1, 1], [], []>, transpose_lhs_hint = false} : vector<1000x128xf32>, vector<128x128xf32>, vector<1000x128xf32> -> vector<1000x128xf32>
    %swap3A = arith.constant 0 : index
    %swap3A_6 = arith.constant 0 : index
    %swap3A_7 = vector.load %arg3[%swap3A, %swap3A_6] : memref<1000x128xf32, #tpu.memory_space<vmem>>, vector<1000x128xf32>
    tpu.vector_store %arg3[%swap3A, %swap3A_6], %dot_general3A_5 {strides = array<i32>} : memref<1000x128xf32, #tpu.memory_space<vmem>>, vector<1000x128xf32>,
    return
  }
  func.func @transform_0(%arg0: i32) -> (i32, i32) {
    %c0_i32 = arith.constant 0 : i32
    %c0_i32_0 = arith.constant 0 : i32
    return %arg0, %c0_i32 : i32, i32
  }
  func.func @transform_1(%arg0: i32) -> (i32, i32) {
    %c0_i32 = arith.constant 0 : i32
    %c0_i32_0 = arith.constant 0 : i32
    %c0_i32_1 = arith.constant 0 : i32
    return %c0_i32, %c0_i32_0 : i32, i32
  }
  func.func @transform_2(%arg0: i32) -> (i32, i32) {
    %c0_i32 = arith.constant 0 : i32
    %c0_i32_0 = arith.constant 0 : i32
    return %arg0, %c0_i32 : i32, i32
  }
}

module attributes {stable_mosaic.version = 14 : i64} {
  func.func @_tc_scale_body(%arg0: i32, %arg1: memref<2x1024x1xf32, #tpu.memory_space<vmem>>, %arg2: memref<1024x128xf32, #tpu.memory_space<vmem>>, %arg3: memref<1024x128xf32, #tpu.memory_space<vmem>>, %arg4: memref<1024x1xf32, #tpu.memory_space<vmem>>) attributes {dimension_semantics = [#tpu.dimension_semantics<arbitrary>], iteration_bounds = array<i64: 10>, scalar_prefetch = 0 : i64, scratch_operands = 0 : i64, tpu.core_type = #tpu.core_type<tc>, window_params = [{transform_indices = @transform_0, window_bounds = array<i64: 2, 1024, 1>}, {transform_indices = @transform_1, window_bounds = array<i64: 1024, 128>}, {transform_indices = @transform_2, window_bounds = array<i64: 1024, 128>}, {transform_indices = @transform_3, window_bounds = array<i64: 1024, 1>}]} {
    %get3A = arith.constant 0 : index
    %get3A_0 = arith.constant 0 : index
    %get3A_1 = arith.constant 0 : index
    %get3A_2 = vector.load %arg1[%get3A, %get3A_0, %get3A_1] : memref<2x1024x1xf32, #tpu.memory_space<vmem>>, vector<1x1024x1xf32>
    %get3A_3 = vector.shape_cast %get3A_2 : vector<1x1024x1xf32> to vector<1024x1xf32>
    %get3A_4 = arith.constant 1 : index
    %get3A_5 = arith.constant 0 : index
    %get3A_6 = arith.constant 0 : index
    %get3A_7 = vector.load %arg1[%get3A_4, %get3A_5, %get3A_6] : memref<2x1024x1xf32, #tpu.memory_space<vmem>>, vector<1x1024x1xf32>
    %get3A_8 = vector.shape_cast %get3A_7 : vector<1x1024x1xf32> to vector<1024x1xf32>
    %add3A = arith.addf %get3A_3, %get3A_8 : vector<1024x1xf32>
    %add3A_9 = arith.constant 1.000000e+00 : f32
    %add3A_10 = vector.broadcast %add3A_9 : f32 to vector<1024x1xf32>
    %add3A_11 = arith.addf %add3A, %add3A_10 : vector<1024x1xf32>
    %rsqrt3A = math.rsqrt %add3A_11 : vector<1024x1xf32>
    %swap3A = arith.constant 0 : index
    %swap3A_12 = arith.constant 0 : index
    %swap3A_13 = vector.load %arg4[%swap3A, %swap3A_12] : memref<1024x1xf32, #tpu.memory_space<vmem>>, vector<1024x1xf32>
    tpu.vector_store %arg4[%swap3A, %swap3A_12], %rsqrt3A {strides = array<i32>} : memref<1024x1xf32, #tpu.memory_space<vmem>>, vector<1024x1xf32>,
    %get3A_14 = arith.constant 0 : index
    %get3A_15 = arith.constant 0 : index
    %get3A_16 = vector.load %arg2[%get3A_14, %get3A_15] : memref<1024x128xf32, #tpu.memory_space<vmem>>, vector<1024x128xf32>
    %mul3A = vector.broadcast %rsqrt3A : vector<1024x1xf32> to vector<1024x128xf32>
    %mul3A_17 = arith.mulf %get3A_16, %mul3A : vector<1024x128xf32>
    %swap3A_18 = arith.constant 0 : index
    %swap3A_19 = arith.constant 0 : index
    %swap3A_20 = vector.load %arg3[%swap3A_18, %swap3A_19] : memref<1024x128xf32, #tpu.memory_space<vmem>>, vector<1024x128xf32>
    tpu.vector_store %arg3[%swap3A_18, %swap3A_19], %mul3A_17 {strides = array<i32>} : memref<1024x128xf32, #tpu.memory_space<vmem>>, vector<1024x128xf32>,
    return
  }
  func.func @transform_0(%arg0: i32) -> (i32, i32, i32) {
    %c0_i32 = arith.constant 0 : i32
    %c0_i32_0 = arith.constant 0 : i32
    %c0_i32_1 = arith.constant 0 : i32
    return %c0_i32, %arg0, %c0_i32_0 : i32, i32, i32
  }
  func.func @transform_1(%arg0: i32) -> (i32, i32) {
    %c0_i32 = arith.constant 0 : i32
    %c0_i32_0 = arith.constant 0 : i32
    return %arg0, %c0_i32 : i32, i32
  }
  func.func @transform_2(%arg0: i32) -> (i32, i32) {
    %c0_i32 = arith.constant 0 : i32
    %c0_i32_0 = arith.constant 0 : i32
    return %arg0, %c0_i32 : i32, i32
  }
  func.func @transform_3(%arg0: i32) -> (i32, i32) {
    %c0_i32 = arith.constant 0 : i32
    %c0_i32_0 = arith.constant 0 : i32
    return %arg0, %c0_i32 : i32, i32
  }
}

module attributes {stable_mosaic.version = 14 : i64} {
  func.func @_tc_mid_body(%arg0: i32, %arg1: memref<2x1024x128xf32, #tpu.memory_space<vmem>>, %arg2: memref<1024x128xf32, #tpu.memory_space<vmem>>, %arg3: memref<1024x1xf32, #tpu.memory_space<vmem>>, %arg4: memref<1x128xf32, #tpu.memory_space<vmem>>, %arg5: memref<128x128xf32, #tpu.memory_space<vmem>>, %arg6: memref<1024x128xf32, #tpu.memory_space<vmem>>) attributes {dimension_semantics = [#tpu.dimension_semantics<arbitrary>], iteration_bounds = array<i64: 10>, scalar_prefetch = 0 : i64, scratch_operands = 0 : i64, tpu.core_type = #tpu.core_type<tc>, window_params = [{transform_indices = @transform_0, window_bounds = array<i64: 2, 1024, 128>}, {transform_indices = @transform_1, window_bounds = array<i64: 1024, 128>}, {transform_indices = @transform_2, window_bounds = array<i64: 1024, 1>}, {pipeline_mode = #tpu.pipeline_mode<synchronous>, transform_indices = @transform_3, window_bounds = array<i64: 1, 128>}, {pipeline_mode = #tpu.pipeline_mode<synchronous>, transform_indices = @transform_4, window_bounds = array<i64: 128, 128>}, {transform_indices = @transform_5, window_bounds = array<i64: 1024, 128>}]} {
    %get3A = arith.constant 0 : index
    %get3A_0 = arith.constant 0 : index
    %get3A_1 = arith.constant 0 : index
    %get3A_2 = vector.load %arg1[%get3A, %get3A_0, %get3A_1] : memref<2x1024x128xf32, #tpu.memory_space<vmem>>, vector<1x1024x128xf32>
    %get3A_3 = vector.shape_cast %get3A_2 : vector<1x1024x128xf32> to vector<1024x128xf32>
    %get3A_4 = arith.constant 1 : index
    %get3A_5 = arith.constant 0 : index
    %get3A_6 = arith.constant 0 : index
    %get3A_7 = vector.load %arg1[%get3A_4, %get3A_5, %get3A_6] : memref<2x1024x128xf32, #tpu.memory_space<vmem>>, vector<1x1024x128xf32>
    %get3A_8 = vector.shape_cast %get3A_7 : vector<1x1024x128xf32> to vector<1024x128xf32>
    %add3A = arith.addf %get3A_3, %get3A_8 : vector<1024x128xf32>
    %get3A_9 = arith.constant 0 : index
    %get3A_10 = arith.constant 0 : index
    %get3A_11 = vector.load %arg2[%get3A_9, %get3A_10] : memref<1024x128xf32, #tpu.memory_space<vmem>>, vector<1024x128xf32>
    %add3A_12 = arith.addf %add3A, %get3A_11 : vector<1024x128xf32>
    %get3A_13 = arith.constant 0 : index
    %get3A_14 = arith.constant 0 : index
    %get3A_15 = vector.load %arg3[%get3A_13, %get3A_14] : memref<1024x1xf32, #tpu.memory_space<vmem>>, vector<1024x1xf32>
    %mul3A = vector.broadcast %get3A_15 : vector<1024x1xf32> to vector<1024x128xf32>
    %mul3A_16 = arith.mulf %add3A_12, %mul3A : vector<1024x128xf32>
    %get3A_17 = arith.constant 0 : index
    %get3A_18 = arith.constant 0 : index
    %get3A_19 = vector.load %arg4[%get3A_17, %get3A_18] : memref<1x128xf32, #tpu.memory_space<vmem>>, vector<1x128xf32>
    %add3A_20 = vector.broadcast %get3A_19 : vector<1x128xf32> to vector<1024x128xf32>
    %add3A_21 = arith.addf %mul3A_16, %add3A_20 : vector<1024x128xf32>
    %max3A = arith.constant 0.000000e+00 : f32
    %max3A_22 = vector.broadcast %max3A : f32 to vector<1024x128xf32>
    %max3A_23 = arith.maximumf %add3A_21, %max3A_22 : vector<1024x128xf32>
    %get3A_24 = arith.constant 0 : index
    %get3A_25 = arith.constant 0 : index
    %get3A_26 = vector.load %arg5[%get3A_24, %get3A_25] : memref<128x128xf32, #tpu.memory_space<vmem>>, vector<128x128xf32>
    %dot_general3A = arith.constant dense<0.000000e+00> : vector<1024x128xf32>
    %dot_general3A_27 = tpu.matmul %max3A_23, %get3A_26, %dot_general3A {dimension_numbers = #tpu.dot_dimension_numbers<[1], [0], [0], [1], [0, 0, 1, 1], [], []>, transpose_lhs_hint = false} : vector<1024x128xf32>, vector<128x128xf32>, vector<1024x128xf32> -> vector<1024x128xf32>
    %get3A_28 = arith.constant 0 : index
    %get3A_29 = arith.constant 0 : index
    %get3A_30 = vector.load %arg3[%get3A_28, %get3A_29] : memref<1024x1xf32, #tpu.memory_space<vmem>>, vector<1024x1xf32>
    %mul3A_31 = vector.broadcast %get3A_30 : vector<1024x1xf32> to vector<1024x128xf32>
    %mul3A_32 = arith.mulf %dot_general3A_27, %mul3A_31 : vector<1024x128xf32>
    %swap3A = arith.constant 0 : index
    %swap3A_33 = arith.constant 0 : index
    %swap3A_34 = vector.load %arg6[%swap3A, %swap3A_33] : memref<1024x128xf32, #tpu.memory_space<vmem>>, vector<1024x128xf32>
    tpu.vector_store %arg6[%swap3A, %swap3A_33], %mul3A_32 {strides = array<i32>} : memref<1024x128xf32, #tpu.memory_space<vmem>>, vector<1024x128xf32>,
    return
  }
  func.func @transform_0(%arg0: i32) -> (i32, i32, i32) {
    %c0_i32 = arith.constant 0 : i32
    %c0_i32_0 = arith.constant 0 : i32
    %c0_i32_1 = arith.constant 0 : i32
    return %c0_i32, %arg0, %c0_i32_0 : i32, i32, i32
  }
  func.func @transform_1(%arg0: i32) -> (i32, i32) {
    %c0_i32 = arith.constant 0 : i32
    %c0_i32_0 = arith.constant 0 : i32
    return %arg0, %c0_i32 : i32, i32
  }
  func.func @transform_2(%arg0: i32) -> (i32, i32) {
    %c0_i32 = arith.constant 0 : i32
    %c0_i32_0 = arith.constant 0 : i32
    return %arg0, %c0_i32 : i32, i32
  }
  func.func @transform_3(%arg0: i32) -> (i32, i32) {
    %c0_i32 = arith.constant 0 : i32
    %c0_i32_0 = arith.constant 0 : i32
    %c0_i32_1 = arith.constant 0 : i32
    return %c0_i32, %c0_i32_0 : i32, i32
  }
  func.func @transform_4(%arg0: i32) -> (i32, i32) {
    %c0_i32 = arith.constant 0 : i32
    %c0_i32_0 = arith.constant 0 : i32
    %c0_i32_1 = arith.constant 0 : i32
    return %c0_i32, %c0_i32_0 : i32, i32
  }
  func.func @transform_5(%arg0: i32) -> (i32, i32) {
    %c0_i32 = arith.constant 0 : i32
    %c0_i32_0 = arith.constant 0 : i32
    return %arg0, %c0_i32 : i32, i32
  }
}

module attributes {stable_mosaic.version = 14 : i64} {
  func.func @_tc_final_body(%arg0: i32, %arg1: memref<2x1000x128xf32, #tpu.memory_space<vmem>>, %arg2: memref<1000x128xf32, #tpu.memory_space<vmem>>, %arg3: memref<1000x1xf32, #tpu.memory_space<vmem>>, %arg4: memref<1x128xf32, #tpu.memory_space<vmem>>, %arg5: memref<1000x128xf32, #tpu.memory_space<vmem>>) attributes {dimension_semantics = [#tpu.dimension_semantics<arbitrary>], iteration_bounds = array<i64: 10>, scalar_prefetch = 0 : i64, scratch_operands = 0 : i64, tpu.core_type = #tpu.core_type<tc>, window_params = [{transform_indices = @transform_0, window_bounds = array<i64: 2, 1000, 128>}, {transform_indices = @transform_1, window_bounds = array<i64: 1000, 128>}, {transform_indices = @transform_2, window_bounds = array<i64: 1000, 1>}, {pipeline_mode = #tpu.pipeline_mode<synchronous>, transform_indices = @transform_3, window_bounds = array<i64: 1, 128>}, {transform_indices = @transform_4, window_bounds = array<i64: 1000, 128>}]} {
    %get3A = arith.constant 0 : index
    %get3A_0 = arith.constant 0 : index
    %get3A_1 = arith.constant 0 : index
    %get3A_2 = vector.load %arg1[%get3A, %get3A_0, %get3A_1] : memref<2x1000x128xf32, #tpu.memory_space<vmem>>, vector<1x1000x128xf32>
    %get3A_3 = vector.shape_cast %get3A_2 : vector<1x1000x128xf32> to vector<1000x128xf32>
    %get3A_4 = arith.constant 1 : index
    %get3A_5 = arith.constant 0 : index
    %get3A_6 = arith.constant 0 : index
    %get3A_7 = vector.load %arg1[%get3A_4, %get3A_5, %get3A_6] : memref<2x1000x128xf32, #tpu.memory_space<vmem>>, vector<1x1000x128xf32>
    %get3A_8 = vector.shape_cast %get3A_7 : vector<1x1000x128xf32> to vector<1000x128xf32>
    %add3A = arith.addf %get3A_3, %get3A_8 : vector<1000x128xf32>
    %get3A_9 = arith.constant 0 : index
    %get3A_10 = arith.constant 0 : index
    %get3A_11 = vector.load %arg2[%get3A_9, %get3A_10] : memref<1000x128xf32, #tpu.memory_space<vmem>>, vector<1000x128xf32>
    %add3A_12 = arith.addf %add3A, %get3A_11 : vector<1000x128xf32>
    %get3A_13 = arith.constant 0 : index
    %get3A_14 = arith.constant 0 : index
    %get3A_15 = vector.load %arg3[%get3A_13, %get3A_14] : memref<1000x1xf32, #tpu.memory_space<vmem>>, vector<1000x1xf32>
    %mul3A = vector.broadcast %get3A_15 : vector<1000x1xf32> to vector<1000x128xf32>
    %mul3A_16 = arith.mulf %add3A_12, %mul3A : vector<1000x128xf32>
    %get3A_17 = arith.constant 0 : index
    %get3A_18 = arith.constant 0 : index
    %get3A_19 = vector.load %arg4[%get3A_17, %get3A_18] : memref<1x128xf32, #tpu.memory_space<vmem>>, vector<1x128xf32>
    %add3A_20 = vector.broadcast %get3A_19 : vector<1x128xf32> to vector<1000x128xf32>
    %add3A_21 = arith.addf %mul3A_16, %add3A_20 : vector<1000x128xf32>
    %swap3A = arith.constant 0 : index
    %swap3A_22 = arith.constant 0 : index
    %swap3A_23 = vector.load %arg5[%swap3A, %swap3A_22] : memref<1000x128xf32, #tpu.memory_space<vmem>>, vector<1000x128xf32>
    tpu.vector_store %arg5[%swap3A, %swap3A_22], %add3A_21 {strides = array<i32>} : memref<1000x128xf32, #tpu.memory_space<vmem>>, vector<1000x128xf32>,
    return
  }
  func.func @transform_0(%arg0: i32) -> (i32, i32, i32) {
    %c0_i32 = arith.constant 0 : i32
    %c0_i32_0 = arith.constant 0 : i32
    %c0_i32_1 = arith.constant 0 : i32
    return %c0_i32, %arg0, %c0_i32_0 : i32, i32, i32
  }
  func.func @transform_1(%arg0: i32) -> (i32, i32) {
    %c0_i32 = arith.constant 0 : i32
    %c0_i32_0 = arith.constant 0 : i32
    return %arg0, %c0_i32 : i32, i32
  }
  func.func @transform_2(%arg0: i32) -> (i32, i32) {
    %c0_i32 = arith.constant 0 : i32
    %c0_i32_0 = arith.constant 0 : i32
    return %arg0, %c0_i32 : i32, i32
  }
  func.func @transform_3(%arg0: i32) -> (i32, i32) {
    %c0_i32 = arith.constant 0 : i32
    %c0_i32_0 = arith.constant 0 : i32
    %c0_i32_1 = arith.constant 0 : i32
    return %c0_i32, %c0_i32_0 : i32, i32
  }
  func.func @transform_4(%arg0: i32) -> (i32, i32) {
    %c0_i32 = arith.constant 0 : i32
    %c0_i32_0 = arith.constant 0 : i32
    return %arg0, %c0_i32 : i32, i32
  }
}

</mosaic_0001>

<sc_bundles>
// kernel: kernel.12.cloned.1.call-start
scs
__scs_entry_jumppad:
0x0: {  	(pc) =	sbr.rel $0x88, $3  }
0x1: {  	(tag) =	ssettag $0x0;
	lr =	simm.s32 $0x1  }
0x2: {  	[smem:$0x3F9B] =	sst lr;
	_ =	strace $0xD0000000  }
0x3: {  	_ = 	snop  }
0x4: {  	_ = 	snop  }
0x5: {  	_ = 	snop  }
0x6: {  	_ = 	snop  }
0x7: {  	_ = 	snop  }
__scs_overlays_trampoline_lowered:
0x8: {  	[smem:$0x3FAA] =	sst s0  }
0x9: {  	[smem:$0x3FAB] =	sst s1  }
0xa: {  	[smem:$0x3FAC] =	sst s2  }
0xb: {  	[smem:$0x3FAD] =	sst s3  }
0xc: {  	[smem:$0x3FAE] =	sst s4  }
0xd: {  	[smem:$0x3FAF] =	sst s5  }
0xe: {  	[smem:$0x3FB0] =	sst s6  }
0xf: {  	[smem:$0x3FB1] =	sst s7  }
0x10: {  	[smem:$0x3FB2] =	sst s8  }
0x11: {  	[smem:$0x3FB3] =	sst s9;
	s0 =	simm.s32 @!p0 $0x0  }
0x12: {  	s1 =	sld [smem:$0x3F99];
	s0 =	simm.s32 @p0 $0x1  }
0x13: {  	[smem:$0x3FB4] =	sst s0;
	s0 =	simm.s32 @!p1 $0x0  }
0x14: {  	s2 =	sld [smem:$0x3F98];
	s0 =	simm.s32 @p1 $0x1  }
0x15: {  	[smem:$0x3FB5] =	sst s0;
	s0 =	simm.s32 @!p2 $0x0  }
0x16: {  	s3 =	sld [smem:$0x3FDB];
	s0 =	simm.s32 @p2 $0x1  }
0x17: {  	s4 =	simm.s32 $0x1BF5;
	[smem:$0x3FB7] =	sst s0  }
0x18: {  	s0 =	sld [smem:$0x3F9A];
	_ =	swait.ge [sflag:s4], $0x0  }
0x19: {  	s7 =	sld [smem:$0x3F9B]  }
0x1a: {  	s8 =	sadd.s32 $0xFFFFE003, lr  }
0x1b: {  	s9 =	sadd.s32 $0xFFFFFEF7, lr;
	s5 =	simm.s32 $0xFFFFFFFF;
	p2 =	slt.u32 s8, $0xFFFFF086  }
0x1c: {  	p1 =	slt.u32 s9, $0xF7A;
	s5 =	simm.s32 @!p2 $0x0  }
0x1d: {  	s5 =	simm.s32 @p1 $0x1;
	p0 =	seq.s32 s7, s2  }
0x1e: {  	s7 =	smul.u32 @!p0 $0xF7A, s2;
	p2 =	seq.s32 @!p0 s5, $0x0  }
0x1f: {  	s9 =	smul.u32 $0xF7A, s1;
	s8 =	simm.s32 @!p0 $0x1BF5;
	p2 =	por !p2, p0  }
0x20: {  	[sflag:s8] =	ssyncset.s32 @!p0 $0xFFFFF086;
	s6 =	sadd.s32 @!p0 s3, s7;
	s7 =	simm.s32 @!p0 $0x108  }
0x21: {  	s3 =	sadd.s32 s3, s9;
	s6 =	sadd.s32 @!p0 $0x88, s6;
	s7 =	simm.s32 @p2 $0x1082  }
0x22: {  	[simem:s7], [sflag:s8] =	dma.local @!p0 [hbm:s6], $0xF7A  }
0x23: {  	s9 =	sor.u32 $0xD0000000, s2;
	s6 =	simm.s32 $0x108;
	_ =	swait.ge @!p0 [sflag:s8], $0x0  }
0x24: {  	s3 =	sadd.s32 $0x88, s3;
	s6 =	simm.s32 @!p1 $0x1082;
	[sflag:s4] =	ssyncset.s32 $0xFFFFF086  }
0x25: {  	[simem:s6], [sflag:s4] =	dma.local [hbm:s3], $0xF7A  }
0x26: {  	[smem:$0x3F9B] =	sst s1;
	(tag) =	ssettag s2;
	_ =	strace s9  }
0x27: {  	s1 =	sld [smem:$0x3FAB]  }
0x28: {  	s2 =	sld [smem:$0x3FAC]  }
0x29: {  	s4 =	sld [smem:$0x3FAE]  }
0x2a: {  	p0 =	seq.s32 s5, $0x0;
	s5 =	sld [smem:$0x3FAF]  }
0x2b: {  	s6 =	sld [smem:$0x3FB0]  }
0x2c: {  	s7 =	sld [smem:$0x3FB1]  }
0x2d: {  	s3 =	simm.s32 $0x108;
	s8 =	sld [smem:$0x3FB2]  }
0x2e: {  	s3 =	simm.s32 @!p0 $0x1082;
	s9 =	sld [smem:$0x3FB3]  }
0x2f: {  	lr =	sadd.s32 s0, s3;
	s0 =	sld [smem:$0x3FAA]  }
0x30: {  	s3 =	sld [smem:$0x3FAD]  }
0x31: {  	[smem:$0x3FB6] =	sst s10  }
0x32: {  	s10 =	sld [smem:$0x3FB4];
	_ =	sdelay $0x3  }
0x33: {  	p0 =	seq.s32 s10, $0x1;
	s10 =	sld [smem:$0x3FB6];
	_ =	sdelay $0x3  }
0x34: {  	[smem:$0x3FB6] =	sst s10  }
0x35: {  	s10 =	sld [smem:$0x3FB5];
	_ =	sdelay $0x3  }
0x36: {  	p1 =	seq.s32 s10, $0x1;
	s10 =	sld [smem:$0x3FB6];
	_ =	sdelay $0x3  }
0x37: {  	[smem:$0x3FB6] =	sst s10  }
0x38: {  	s10 =	sld [smem:$0x3FB7]  }
0x39: {  	_ = 	snop;
	(pc) =	sbr.ind lr, $3  }
0x3a: {  	_ = 	snop  }
0x3b: {  	_ = 	snop  }
0x3c: {  	p2 =	seq.s32 s10, $0x1;
	s10 =	sld [smem:$0x3FB6]  }
0x3d: {  	_ =	shalt  }
0x3e: {  	_ =	shalt  }
0x3f: {  	_ =	shalt  }
0x40: {  	_ =	shalt  }
0x41: {  	_ =	shalt  }
0x42: {  	_ =	shalt  }
0x43: {  	_ =	shalt  }
0x44: {  	_ =	shalt  }
0x45: {  	_ =	shalt  }
0x46: {  	_ =	shalt  }
0x47: {  	_ =	shalt  }
0x48: {  	_ =	shalt  }
0x49: {  	_ =	shalt  }
0x4a: {  	_ =	shalt  }
0x4b: {  	_ =	shalt  }
0x4c: {  	_ =	shalt  }
0x4d: {  	_ =	shalt  }
0x4e: {  	_ =	shalt  }
0x4f: {  	_ =	shalt  }
0x50: {  	_ =	shalt  }
0x51: {  	_ =	shalt  }
0x52: {  	_ =	shalt  }
0x53: {  	_ =	shalt  }
0x54: {  	_ =	shalt  }
0x55: {  	_ =	shalt  }
0x56: {  	_ =	shalt  }
0x57: {  	_ =	shalt  }
0x58: {  	_ =	shalt  }
0x59: {  	_ =	shalt  }
0x5a: {  	_ =	shalt  }
0x5b: {  	_ =	shalt  }
0x5c: {  	_ =	shalt  }
0x5d: {  	_ =	shalt  }
0x5e: {  	_ =	shalt  }
0x5f: {  	_ =	shalt  }
0x60: {  	_ =	shalt  }
0x61: {  	_ =	shalt  }
0x62: {  	_ =	shalt  }
0x63: {  	_ =	shalt  }
0x64: {  	_ =	shalt  }
0x65: {  	_ =	shalt  }
0x66: {  	_ =	shalt  }
0x67: {  	_ =	shalt  }
0x68: {  	_ =	shalt  }
0x69: {  	_ =	shalt  }
0x6a: {  	_ =	shalt  }
0x6b: {  	_ =	shalt  }
0x6c: {  	_ =	shalt  }
0x6d: {  	_ =	shalt  }
0x6e: {  	_ =	shalt  }
0x6f: {  	_ =	shalt  }
0x70: {  	_ =	shalt  }
0x71: {  	_ =	shalt  }
0x72: {  	_ =	shalt  }
0x73: {  	_ =	shalt  }
0x74: {  	_ =	shalt  }
0x75: {  	_ =	shalt  }
0x76: {  	_ =	shalt  }
0x77: {  	_ =	shalt  }
0x78: {  	_ =	shalt  }
0x79: {  	_ =	shalt  }
0x7a: {  	_ =	shalt  }
0x7b: {  	_ =	shalt  }
0x7c: {  	_ =	shalt  }
0x7d: {  	_ =	shalt  }
0x7e: {  	_ =	shalt  }
0x7f: {  	_ =	shalt  }
0x80: {  	_ =	shalt  }
0x81: {  	_ =	shalt  }
0x82: {  	_ =	shalt  }
0x83: {  	_ =	shalt  }
0x84: {  	_ =	shalt  }
0x85: {  	_ =	shalt  }
0x86: {  	_ =	shalt  }
0x87: {  	_ =	shalt  }
.Lfunc_end0:
.L_simem_size_0:
called_computation.1_lowered:
.L_overlay_start_0:
0x88: {  	s2 =	sld [smem:$0x3FD9]  }
0x89: {  	s3 =	sld [smem:$0x3FFE];
	_ =	sdelay $0x1  }
0x8a: {  	s1 =	srdreg.scid  }
0x8b: {  	s0 =	sand.u32 $0x1, s1  }
0x8c: {  	s17 =	sshll.u32 s0, $0xA;
	s2 =	sadd.s32 s3, s2  }
0x8d: {  	s2 =	sadd.s32 s2, s17  }
0x8e: {  	[smem:$0x3FC2] =	sst s2  }
0x8f: {  	_ = 	snop  }
0x90: {  	s2 =	sld [smem:$0x3FD0];
	(tm) =	ssettm $0x1  }
0x91: {  	s18 =	sld [smem:$0x3FFB];
	_ =	sdelay $0x3  }
0x92: {  	_ =	strace s18  }
0x93: {  	s3 =	sld [smem:$0x3FFC];
	_ =	sdelay $0x3  }
0x94: {  	_ =	strace s3  }
0x95: {  	s3 =	sld [smem:$0x3FFD];
	_ =	sdelay $0x3  }
0x96: {  	_ =	strace s3  }
0x97: {  	_ =	strace $0x8FFFFFFF  }
0x98: {  	s19 =	sld [smem:$0x3FDB];
	_ =	sdelay $0x1  }
0x99: {  	s4 =	simm.s32 $_scs_section_size  }
0x9a: {  	s5 =	simm.s32 $_size__tile_overlayer_lowered;
	s6 =	simm.s32 $_tile_overlayer_lowered  }
0x9b: {  	s22 =	simm.s32 $0x1BFF;
	s21 =	sshll.u32 s6, $0x1;
	s3 =	sadd.s32 s4, s19  }
0x9c: {  	s7 =	simm.s32 $0x0;
	s20 =	sshll.u32 s5, $0x1;
	s5 =	sadd.s32 s21, s3  }
0x9d: {  	[timem:s7], [sflag:s22] =	dma.local [hbm:s5], s20  }
0x9e: {  	_ =	swait.ge [sflag:s22], s20  }
0x9f: {  	s4 =	ssub.s32 $0x0, s20;
	[sflag:s22] =	ssyncset.done $0x0  }
0xa0: {  	[sflag:s22] =	ssyncadd.s32 s4;
	_ =	sdelay $0x1  }
0xa1: {  	s23 =	simm.s32 $0x1B8B  }
0xa2: {  	_ =	swait.ge [sflag:s23], $0x1  }
0xa3: {  	[sflag:s23] =	ssyncset.done $0x0  }
0xa4: {  	s25 =	simm.s32 $0x1B8E;
	s24 =	sld [smem:$0x3FFE];
	[sflag:s23] =	ssyncadd.s32 $0xFFFFFFFF  }
0xa5: {  	s26 =	simm.s32 $execute0_lowered;
	[smem:$0x3FD2] =	sst s25  }
0xa6: {  	s5 =	sshll.u32 s26, $0x1;
	_ =	strace $0x80000049;
	[dreg:$0x1] =	wrdreg $0xFFFFFFFF  }
0xa7: {  	s28 =	simm.s32 $_size_execute0_lowered;
	s3 =	sadd.s32 s3, s5;
	[dreg:$0x0] =	wrdreg $0x0  }
0xa8: {  	s5 =	sshll.u32 s28, $0x1;
	[dreg:$0x2] =	wrdreg s3  }
0xa9: {  	[dreg:$0x3] =	wrdreg s5  }
0xaa: {  	[dreg:$0x4] =	wrdreg $0xC0  }
0xab: {  	_ =	task [dreg:s7], $0x5FFFF  }
0xac: {  	[dreg:$0x1] =	wrdreg $0xFFFFFFFF  }
0xad: {  	[dreg:$0x0] =	wrdreg $0x60  }
0xae: {  	[dreg:$0x2] =	wrdreg s24  }
0xaf: {  	[dreg:$0x3] =	wrdreg s2  }
0xb0: {  	[dreg:$0x4] =	wrdreg $0xA8000  }
0xb1: {  	[dreg:$0x5] =	wrdreg $0x9  }
0xb2: {  	_ =	task.clear_ibuf [dreg:s7], $0x6FFFF;
	_ =	strace $0x90000049  }
0xb3: {  	s29 =	simm.s32 $0x9;
	_ =	strace $0x8000004B  }
0xb4: {  	_ =	swait.ge [sflag:s29], $0x1  }
0xb5: {  	[sflag:s29] =	ssyncadd.s32 $0xFFFFFFFF  }
0xb6: {  	_ =	strace $0x9000004B  }
0xb7: {  	_ =	sfence  }
0xb8: {  	s30 =	sld [smem:$0x0];
	_ =	sdelay $0x2  }
0xb9: {  	s31 =	sshll.u32 s1, $0xD;
	s1 =	sshrl.u32 s1, $0x2  }
0xba: {  	s3 =	sand.u32 $0x4000, s31;
	s1 =	sadd.s32 s1, s30  }
0xbb: {  	s0 =	sor.u32 s3, s0;
	s1 =	sshll.u32 s1, $0x11  }
0xbc: {  	s0 =	sor.u32 s1, s0  }
0xbd: {  	s0 =	sadd.s32 $0x8F2B, s0  }
0xbe: {  	[sflag:s0] =	ssyncadd.remote.s32 $0x1  }
0xbf: {  	_ =	sfence.sel $0xFFFF  }
0xc0: {  	[dreg:$0x0] =	wrdreg $0xFFFFFFFF;
	(pc) =	sbr.abs _section_cstart, $3  }
0xc1: {  	[dreg:$0x1] =	wrdreg $0xFFFFFFFF  }
0xc2: {  	_ =	task.clear_ibuf [dreg:s7], $0x2FFFF;
	_ =	strace $0x9FFFFFFF  }
0xc3: {  	(tm) =	ssettm $0x7FFFFFFF  }
tec
execute0_lowered:
.L_overlay_start_1:
0x0: {  	(tag) =	ssettag $0x1  }
0x1: {  	s5 =	rddreg [dreg:$0x0]  }
0x2: {  	s14 =	rddreg [dreg:$0x1]  }
0x3: {  	s2 =	rddreg [dreg:$0x2]  }
0x4: {  	s0 =	srdreg.scid;
	s1 =	rddreg [dreg:$0x3];
	s3 =	simm.s32 $0x0  }
0x5: {  	s17 =	simm.s32 $0x3;
	s18 =	simm.s32 $0x1400;
	s19 =	simm.s32 $0x80  }
0x6: {  	s20 =	simm.s32 $0x6800;
	s21 =	simm.s32 $0x1;
	s22 =	simm.s32 $0x2  }
0x7: {  	s23 =	simm.s32 $0x2700;
	s24 =	simm.s32 $0x2780;
	s6 =	sand.u32 $0x1, s0  }
0x8: {  	s25 =	simm.s32 $0x0;
	s0 =	stileid.u32;
	s4 =	smul.u32 $0x140000, s6  }
0x9: {  	[smem:$0x7FF] =	sst s3;
	s15 =	sadd.s32 $0x2800, s5;
	s7 =	smul.u32 $0x14000, s0  }
0xa: {  	s8 =	smul.u32 $0x50000, s0;
	s30 =	ssub.s32 $0x2, s6;
	s31 =	sshll.u32 s0, $0x1  }
0xb: {  	_ =	strace $0x8000004A;
	s9 =	sshrl.u32 s30, $0x1;
	s11 =	sor.u32 s6, s31  }
0xc: {  	s4 =	sadd.s32 s7, s4;
	s8 =	sshrl.u32 s8, $0x2;
	s12 =	ssub.s32 s30, s9  }
0xd: {  	s13 =	smul.u32 $0x2800, s11;
	s7 =	sshrl.u32 s4, $0x3;
	s4 =	sadd.s32 $0xC800, s5  }
0xe: {  	s11 =	smax.u32 s12, $0x1;
	s10 =	sadd.s32 s7, s5;
	s5 =	sadd.s32 s8, s2  }
0xf: {  	s16 =	sshrl.u32 s13, $0x3;
	s6 =	sadd.s32 $0x4000, s5;
	s7 =	sadd.s32 $0x8000, s5  }
0x10: {  	s8 =	sadd.s32 $0xC000, s5;
	s9 =	sadd.s32 $0x10000, s5;
	s10 =	sadd.s32 $0x34800, s10  }
0x11: {  	s12 =	sadd.s32 s14, s16;
	s13 =	sadd.s32 s15, s16;
	s16 =	sadd.s32 $0x280, s16  }
0x12: {  	v0 =	vimm.f32 $0.0e+00;
	s14 =	sadd.s32 s14, s16;
	s15 =	sadd.s32 s15, s16;
	s16 =	simm.s32 $0x2800  }
.LBB2_1:
0x13: {  	s26 =	sand.u32 $0xFE00, s3  }
0x14: {  	s28 =	sand.u32 $0x70, s3;
	s29 =	sshrl.u32 s26, $0x2  }
0x15: {  	s26 =	simm.s32 $0x40;
	s29 =	sor.u32 s28, s29;
	s28 =	simm.s32 $0x0  }
.LBB2_2:
0x16: {  	p0 =	sne.s32 s26, $0xFFC0  }
0x17: {  	[tilespmem:s29+$0x2800] =	vst v0;
	s28 =	sadd.s32 $0x10, s28;
	s29 =	smov.u32 s26;
	s26 =	sadd.s32 $0x40, s26  }
.Ltmp0:
0x18: {  	(pc) =	sbr.rel @p0 .LBB2_2-.Ltmp0, $4  }
0x19: {  	_ = 	snop  }
0x1a: {  	s29 =	sand.u32 $0xFE00, s29  }
0x1b: {  	s30 =	sand.u32 $0x70, s28;
	s29 =	sshrl.u32 s29, $0x2  }
0x1c: {  	s29 =	sor.u32 s30, s29  }
0x1d: {  	[tilespmem:s29+$0x2800] =	vst v0  }
0x1e: {  	[spmem:s5] =	stream.linear.scatter [tilespmem:s16], [sflag:$0x3], $0x4000, $0x38;
	[tilespmem:$0x1E800] =	vst v63  }
0x1f: {  	_ =	swait.ge [sflag:s17], $0x4000  }
0x20: {  	[sflag:s17] =	ssyncset.done $0x0  }
0x21: {  	[sflag:s17] =	ssyncadd.s32 $0xFFFFC000  }
0x22: {  	[spmem:s6] =	stream.linear.scatter [tilespmem:s16], [sflag:$0x3], $0x4000, $0x38;
	[tilespmem:$0x1E800] =	vst v63  }
0x23: {  	_ =	swait.ge [sflag:s17], $0x4000  }
0x24: {  	[sflag:s17] =	ssyncset.done $0x0  }
0x25: {  	[sflag:s17] =	ssyncadd.s32 $0xFFFFC000  }
0x26: {  	[spmem:s7] =	stream.linear.scatter [tilespmem:s16], [sflag:$0x3], $0x4000, $0x38;
	[tilespmem:$0x1E800] =	vst v63  }
0x27: {  	_ =	swait.ge [sflag:s17], $0x4000  }
0x28: {  	[sflag:s17] =	ssyncset.done $0x0  }
0x29: {  	[sflag:s17] =	ssyncadd.s32 $0xFFFFC000  }
0x2a: {  	[spmem:s8] =	stream.linear.scatter [tilespmem:s16], [sflag:$0x3], $0x4000, $0x38;
	[tilespmem:$0x1E800] =	vst v63  }
0x2b: {  	_ =	swait.ge [sflag:s17], $0x4000  }
0x2c: {  	[sflag:s17] =	ssyncset.done $0x0  }
0x2d: {  	[sflag:s17] =	ssyncadd.s32 $0xFFFFC000  }
0x2e: {  	[spmem:s9] =	stream.linear.scatter [tilespmem:s16], [sflag:$0x3], $0x4000, $0x38;
	[tilespmem:$0x1E800] =	vst v63  }
0x2f: {  	_ =	swait.ge [sflag:s17], $0x4000  }
0x30: {  	[sflag:s17] =	ssyncset.done $0x0  }
0x31: {  	[sflag:s17] =	ssyncadd.s32 $0xFFFFC000  }
0x32: {  	s26 =	simm.s32 $0x0;
	[bflag:$0x0] =	sbarrier.arrive $0xFFFF  }
0x33: {  	[tilespmem:s26], [sflag:$0x3] =	stream.linear.gather [hbm4b:s12+s26], $0x1400, $0x38;
	[tilespmem:$0x1E800] =	vst v63  }
0x34: {  	_ =	swait.ge [sflag:s17], $0x1400  }
0x35: {  	[sflag:s17] =	ssyncset.done $0x0  }
0x36: {  	[sflag:s17] =	ssyncadd.s32 $0xFFFFEC00  }
0x37: {  	[tilespmem:s18], [sflag:$0x3] =	stream.linear.gather [hbm4b:s13+s26], $0x1400, $0x38;
	[tilespmem:$0x1E800] =	vst v63  }
0x38: {  	_ =	swait.ge [sflag:s17], $0x1400  }
0x39: {  	[sflag:s17] =	ssyncset.done $0x0  }
0x3a: {  	[sflag:s17] =	ssyncadd.s32 $0xFFFFEC00  }
0x3b: {  	[tilespmem:s16], [sflag:$0x1] =	stream.indirect.gather [hbm4b:s4+s19], $0x80, s26, s19, $0xb8;
	[tilespmem:$0x1E800] =	vst v63  }
0x3c: {  	_ = 	snop  }
0x3d: {  	[tilespmem:s20], [sflag:$0x2] =	stream.indirect.gather [hbm4b:s4+s19], $0x80, s19, s19, $0xb8;
	[tilespmem:$0x1E800] =	vst v63  }
0x3e: {  	_ =	swait.ge [sflag:s21], $0x4000  }
0x3f: {  	[sflag:s21] =	ssyncset.done $0x0  }
0x40: {  	s29 =	simm.s32 $0x1400;
	[sflag:s21] =	ssyncadd.s32 $0xFFFFC000  }
0x41: {  	[spmem:s2] =	stream.indirect.scatter.add.f32 [tilespmem:s16], [sflag:$0x3], $0x80, s29, s19, $0xb8;
	[tilespmem:$0x1E800] =	vst v63  }
0x42: {  	_ =	swait.ge [sflag:s17], $0x4000  }
0x43: {  	[sflag:s17] =	ssyncset.done $0x0  }
0x44: {  	s30 =	simm.s32 $0x100;
	[sflag:s17] =	ssyncadd.s32 $0xFFFFC000  }
0x45: {  	[tilespmem:s16], [sflag:$0x1] =	stream.indirect.gather [hbm4b:s4+s19], $0x80, s30, s19, $0xb8;
	[tilespmem:$0x1E800] =	vst v63  }
0x46: {  	_ =	swait.ge [sflag:s22], $0x4000  }
0x47: {  	[sflag:s22] =	ssyncset.done $0x0  }
0x48: {  	s31 =	simm.s32 $0x1480;
	[sflag:s22] =	ssyncadd.s32 $0xFFFFC000  }
0x49: {  	[spmem:s2] =	stream.indirect.scatter.add.f32 [tilespmem:s20], [sflag:$0x3], $0x80, s31, s19, $0xb8;
	[tilespmem:$0x1E800] =	vst v63  }
0x4a: {  	_ =	swait.ge [sflag:s17], $0x4000  }
0x4b: {  	[sflag:s17] =	ssyncset.done $0x0  }
0x4c: {  	s28 =	simm.s32 $0x180;
	s26 =	simm.s32 $0x400;
	[sflag:s17] =	ssyncadd.s32 $0xFFFFC000  }
.LBB2_4:
0x4d: {  	[tilespmem:s20], [sflag:$0x2] =	stream.indirect.gather [hbm4b:s4+s19], $0x80, s28, s19, $0xb8;
	[tilespmem:$0x1E800] =	vst v63  }
0x4e: {  	s28 =	smov.u32 s26  }
0x4f: {  	p0 =	sne.s32 s26, $0x4800;
	s26 =	sadd.s32 $0x400, s26;
	_ =	swait.ge [sflag:s21], $0x4000  }
0x50: {  	s28 =	sshra.s32 s28, $0x2;
	[sflag:s21] =	ssyncset.done $0x0  }
0x51: {  	s29 =	sadd.s32 $0x1400, s28;
	[sflag:s21] =	ssyncadd.s32 $0xFFFFC000  }
0x52: {  	[spmem:s2] =	stream.indirect.scatter.add.f32 [tilespmem:s16], [sflag:$0x3], $0x80, s29, s19, $0xb8;
	[tilespmem:$0x1E800] =	vst v63  }
0x53: {  	_ =	swait.ge [sflag:s17], $0x4000  }
0x54: {  	[sflag:s17] =	ssyncset.done $0x0  }
0x55: {  	s29 =	sadd.s32 $0x100, s28;
	[sflag:s17] =	ssyncadd.s32 $0xFFFFC000  }
0x56: {  	[tilespmem:s16], [sflag:$0x1] =	stream.indirect.gather [hbm4b:s4+s19], $0x80, s29, s19, $0xb8;
	[tilespmem:$0x1E800] =	vst v63  }
0x57: {  	_ =	swait.ge [sflag:s22], $0x4000  }
0x58: {  	[sflag:s22] =	ssyncset.done $0x0  }
.Ltmp1:
0x59: {  	s29 =	sadd.s32 $0x1480, s28;
	[sflag:s22] =	ssyncadd.s32 $0xFFFFC000;
	(pc) =	sbr.rel @p0 .LBB2_4-.Ltmp1, $4  }
0x5a: {  	[spmem:s2] =	stream.indirect.scatter.add.f32 [tilespmem:s20], [sflag:$0x3], $0x80, s29, s19, $0xb8;
	[tilespmem:$0x1E800] =	vst v63  }
0x5b: {  	_ =	swait.ge [sflag:s17], $0x4000  }
0x5c: {  	[sflag:s17] =	ssyncset.done $0x0  }
0x5d: {  	s28 =	sadd.s32 $0x180, s28;
	[sflag:s17] =	ssyncadd.s32 $0xFFFFC000  }
0x5e: {  	[tilespmem:s20], [sflag:$0x2] =	stream.indirect.gather [hbm4b:s4+s19], $0x80, s28, s19, $0xb8;
	[tilespmem:$0x1E800] =	vst v63  }
0x5f: {  	_ =	swait.ge [sflag:s21], $0x4000  }
0x60: {  	[sflag:s21] =	ssyncset.done $0x0  }
0x61: {  	[sflag:s21] =	ssyncadd.s32 $0xFFFFC000  }
0x62: {  	[spmem:s2] =	stream.indirect.scatter.add.f32 [tilespmem:s16], [sflag:$0x3], $0x80, s23, s19, $0xb8;
	[tilespmem:$0x1E800] =	vst v63  }
0x63: {  	_ =	swait.ge [sflag:s17], $0x4000  }
0x64: {  	[sflag:s17] =	ssyncset.done $0x0  }
0x65: {  	[sflag:s17] =	ssyncadd.s32 $0xFFFFC000  }
0x66: {  	_ =	swait.ge [sflag:s22], $0x4000  }
0x67: {  	[sflag:s22] =	ssyncset.done $0x0  }
0x68: {  	[sflag:s22] =	ssyncadd.s32 $0xFFFFC000  }
0x69: {  	[spmem:s2] =	stream.indirect.scatter.add.f32 [tilespmem:s20], [sflag:$0x3], $0x80, s24, s19, $0xb8;
	[tilespmem:$0x1E800] =	vst v63  }
0x6a: {  	_ =	swait.ge [sflag:s17], $0x4000  }
0x6b: {  	[sflag:s17] =	ssyncset.done $0x0  }
0x6c: {  	s26 =	simm.s32 $0x0;
	[sflag:s17] =	ssyncadd.s32 $0xFFFFC000  }
0x6d: {  	[tilespmem:s26], [sflag:$0x3] =	stream.linear.gather [hbm4b:s14+s26], $0x1400, $0x38;
	[tilespmem:$0x1E800] =	vst v63  }
0x6e: {  	_ =	swait.ge [sflag:s17], $0x1400  }
0x6f: {  	[sflag:s17] =	ssyncset.done $0x0  }
0x70: {  	[sflag:s17] =	ssyncadd.s32 $0xFFFFEC00  }
0x71: {  	[tilespmem:s18], [sflag:$0x3] =	stream.linear.gather [hbm4b:s15+s26], $0x1400, $0x38;
	[tilespmem:$0x1E800] =	vst v63  }
0x72: {  	_ =	swait.ge [sflag:s17], $0x1400  }
0x73: {  	[sflag:s17] =	ssyncset.done $0x0  }
0x74: {  	[sflag:s17] =	ssyncadd.s32 $0xFFFFEC00  }
0x75: {  	[tilespmem:s16], [sflag:$0x1] =	stream.indirect.gather [hbm4b:s4+s19], $0x80, s26, s19, $0xb8;
	[tilespmem:$0x1E800] =	vst v63  }
0x76: {  	_ = 	snop  }
0x77: {  	[tilespmem:s20], [sflag:$0x2] =	stream.indirect.gather [hbm4b:s4+s19], $0x80, s19, s19, $0xb8;
	[tilespmem:$0x1E800] =	vst v63  }
0x78: {  	_ =	swait.ge [sflag:s21], $0x4000  }
0x79: {  	[sflag:s21] =	ssyncset.done $0x0  }
0x7a: {  	s29 =	simm.s32 $0x1400;
	[sflag:s21] =	ssyncadd.s32 $0xFFFFC000  }
0x7b: {  	[spmem:s2] =	stream.indirect.scatter.add.f32 [tilespmem:s16], [sflag:$0x3], $0x80, s29, s19, $0xb8;
	[tilespmem:$0x1E800] =	vst v63  }
0x7c: {  	_ =	swait.ge [sflag:s17], $0x4000  }
0x7d: {  	[sflag:s17] =	ssyncset.done $0x0  }
0x7e: {  	s30 =	simm.s32 $0x100;
	[sflag:s17] =	ssyncadd.s32 $0xFFFFC000  }
0x7f: {  	[tilespmem:s16], [sflag:$0x1] =	stream.indirect.gather [hbm4b:s4+s19], $0x80, s30, s19, $0xb8;
	[tilespmem:$0x1E800] =	vst v63  }
0x80: {  	_ =	swait.ge [sflag:s22], $0x4000  }
0x81: {  	[sflag:s22] =	ssyncset.done $0x0  }
0x82: {  	s31 =	simm.s32 $0x1480;
	[sflag:s22] =	ssyncadd.s32 $0xFFFFC000  }
0x83: {  	[spmem:s2] =	stream.indirect.scatter.add.f32 [tilespmem:s20], [sflag:$0x3], $0x80, s31, s19, $0xb8;
	[tilespmem:$0x1E800] =	vst v63  }
0x84: {  	_ =	swait.ge [sflag:s17], $0x4000  }
0x85: {  	[sflag:s17] =	ssyncset.done $0x0  }
0x86: {  	s28 =	simm.s32 $0x180;
	s26 =	simm.s32 $0x400;
	[sflag:s17] =	ssyncadd.s32 $0xFFFFC000  }
.LBB2_6:
0x87: {  	[tilespmem:s20], [sflag:$0x2] =	stream.indirect.gather [hbm4b:s4+s19], $0x80, s28, s19, $0xb8;
	[tilespmem:$0x1E800] =	vst v63  }
0x88: {  	s28 =	smov.u32 s26  }
0x89: {  	p0 =	sne.s32 s26, $0x4800;
	s26 =	sadd.s32 $0x400, s26;
	_ =	swait.ge [sflag:s21], $0x4000  }
0x8a: {  	s28 =	sshra.s32 s28, $0x2;
	[sflag:s21] =	ssyncset.done $0x0  }
0x8b: {  	s29 =	sadd.s32 $0x1400, s28;
	[sflag:s21] =	ssyncadd.s32 $0xFFFFC000  }
0x8c: {  	[spmem:s2] =	stream.indirect.scatter.add.f32 [tilespmem:s16], [sflag:$0x3], $0x80, s29, s19, $0xb8;
	[tilespmem:$0x1E800] =	vst v63  }
0x8d: {  	_ =	swait.ge [sflag:s17], $0x4000  }
0x8e: {  	[sflag:s17] =	ssyncset.done $0x0  }
0x8f: {  	s29 =	sadd.s32 $0x100, s28;
	[sflag:s17] =	ssyncadd.s32 $0xFFFFC000  }
0x90: {  	[tilespmem:s16], [sflag:$0x1] =	stream.indirect.gather [hbm4b:s4+s19], $0x80, s29, s19, $0xb8;
	[tilespmem:$0x1E800] =	vst v63  }
0x91: {  	_ =	swait.ge [sflag:s22], $0x4000  }
0x92: {  	[sflag:s22] =	ssyncset.done $0x0  }
.Ltmp2:
0x93: {  	s29 =	sadd.s32 $0x1480, s28;
	[sflag:s22] =	ssyncadd.s32 $0xFFFFC000;
	(pc) =	sbr.rel @p0 .LBB2_6-.Ltmp2, $4  }
0x94: {  	[spmem:s2] =	stream.indirect.scatter.add.f32 [tilespmem:s20], [sflag:$0x3], $0x80, s29, s19, $0xb8;
	[tilespmem:$0x1E800] =	vst v63  }
0x95: {  	_ =	swait.ge [sflag:s17], $0x4000  }
0x96: {  	[sflag:s17] =	ssyncset.done $0x0  }
0x97: {  	s28 =	sadd.s32 $0x180, s28;
	[sflag:s17] =	ssyncadd.s32 $0xFFFFC000  }
0x98: {  	[tilespmem:s20], [sflag:$0x2] =	stream.indirect.gather [hbm4b:s4+s19], $0x80, s28, s19, $0xb8;
	[tilespmem:$0x1E800] =	vst v63  }
0x99: {  	_ =	swait.ge [sflag:s21], $0x4000  }
0x9a: {  	[sflag:s21] =	ssyncset.done $0x0  }
0x9b: {  	[sflag:s21] =	ssyncadd.s32 $0xFFFFC000  }
0x9c: {  	[spmem:s2] =	stream.indirect.scatter.add.f32 [tilespmem:s16], [sflag:$0x3], $0x80, s23, s19, $0xb8;
	[tilespmem:$0x1E800] =	vst v63  }
0x9d: {  	_ =	swait.ge [sflag:s17], $0x4000  }
0x9e: {  	[sflag:s17] =	ssyncset.done $0x0  }
0x9f: {  	[sflag:s17] =	ssyncadd.s32 $0xFFFFC000  }
0xa0: {  	_ =	swait.ge [sflag:s22], $0x4000  }
0xa1: {  	[sflag:s22] =	ssyncset.done $0x0  }
0xa2: {  	[sflag:s22] =	ssyncadd.s32 $0xFFFFC000  }
0xa3: {  	[spmem:s2] =	stream.indirect.scatter.add.f32 [tilespmem:s20], [sflag:$0x3], $0x80, s24, s19, $0xb8;
	[tilespmem:$0x1E800] =	vst v63  }
0xa4: {  	_ =	swait.ge [sflag:s17], $0x4000  }
0xa5: {  	s26 =	sshll.u32 s0, $0x6;
	s25 =	sadd.s32 $0x1, s25;
	[sflag:s17] =	ssyncset.done $0x0  }
0xa6: {  	s31 =	sshrl.u32 s5, $0x3;
	p0 =	sne.s32 s25, s11;
	[sflag:s17] =	ssyncadd.s32 $0xFFFFC000  }
.Ltmp3:
0xa7: {  	s26 =	sor.u32 $0x1C03, s26;
	[bflag:$0x0] =	sbarrier.arrive $0xFFFF;
	(pc) =	sbr.rel @p0 .LBB2_1-.Ltmp3, $4  }
0xa8: {  	[hbm:s10], [sflag:s26] =	dma.local [spmem:s31], $0x2800  }
0xa9: {  	_ =	swait.ge [sflag:s17], $0x2800  }
0xaa: {  	[sflag:s17] =	ssyncset.done $0x0  }
0xab: {  	[sflag:s17] =	ssyncadd.s32 $0xFFFFD800  }
0xac: {  	_ =	sfence.sel $0x180000  }
0xad: {  	[bflag:$0x0] =	sbarrier.arrive $0xFFFF  }
0xae: {  	p0 =	sne.s32 s0, $0x0;
	_ =	strace $0x9000004A  }
0xaf: {  	s0 =	sadd.s32 @!p0 $0x100000, s1;
	[bflag:$0x2] =	sbarrier.arrive $0xFFFF  }
0xb0: {  	[sflag:s0] =	ssyncadd.tile.s32 @!p0 $0x1;
	_ =	shalt  }
.Lfunc_end2:
_tile_overlayer_lowered:
.L_overlay_start_2:
0xb1: {  	(tag) =	ssettag $0x2  }
0xb2: {  	s0 =	rddreg [dreg:$0x0];
	s2 =	stileid.u32  }
0xb3: {  	s1 =	rddreg [dreg:$0x1];
	p0 =	sne.s32 s2, $0x0  }
0xb4: {  	s3 =	rddreg [dreg:$0x2];
	[bflag:$0x3] =	sbarrier.arrive $0xFFFF;
	s2 =	simm.s32 @!p0 $0x1C03  }
0xb5: {  	[timem:s3], [sflag:s2] =	dma.local @!p0 [hbm:s0], s1  }
0xb6: {  	s0 =	simm.s32 @!p0 $0x3  }
0xb7: {  	_ =	swait.ge @!p0 [sflag:s0], s1  }
0xb8: {  	s1 =	ssub.s32 @!p0 $0x0, s1;
	[sflag:s0] =	ssyncset.done @!p0 $0x0  }
0xb9: {  	[sflag:s0] =	ssyncadd.s32 @!p0 s1  }
0xba: {  	[bflag:$0x3] =	sbarrier.arrive $0xFFFF  }
0xbb: {  	_ =	shalt  }

// kernel: kernel.15.cloned.1.call-start
scs
__scs_entry_jumppad:
0x0: {  	(pc) =	sbr.rel $0x88, $3  }
0x1: {  	(tag) =	ssettag $0x0;
	lr =	simm.s32 $0x1  }
0x2: {  	[smem:$0x3F9B] =	sst lr;
	_ =	strace $0xD0000000  }
0x3: {  	_ = 	snop  }
0x4: {  	_ = 	snop  }
0x5: {  	_ = 	snop  }
0x6: {  	_ = 	snop  }
0x7: {  	_ = 	snop  }
__scs_overlays_trampoline_lowered:
0x8: {  	[smem:$0x3FAA] =	sst s0  }
0x9: {  	[smem:$0x3FAB] =	sst s1  }
0xa: {  	[smem:$0x3FAC] =	sst s2  }
0xb: {  	[smem:$0x3FAD] =	sst s3  }
0xc: {  	[smem:$0x3FAE] =	sst s4  }
0xd: {  	[smem:$0x3FAF] =	sst s5  }
0xe: {  	[smem:$0x3FB0] =	sst s6  }
0xf: {  	[smem:$0x3FB1] =	sst s7  }
0x10: {  	[smem:$0x3FB2] =	sst s8  }
0x11: {  	[smem:$0x3FB3] =	sst s9;
	s0 =	simm.s32 @!p0 $0x0  }
0x12: {  	s1 =	sld [smem:$0x3F99];
	s0 =	simm.s32 @p0 $0x1  }
0x13: {  	[smem:$0x3FB4] =	sst s0;
	s0 =	simm.s32 @!p1 $0x0  }
0x14: {  	s2 =	sld [smem:$0x3F98];
	s0 =	simm.s32 @p1 $0x1  }
0x15: {  	[smem:$0x3FB5] =	sst s0;
	s0 =	simm.s32 @!p2 $0x0  }
0x16: {  	s3 =	sld [smem:$0x3FDB];
	s0 =	simm.s32 @p2 $0x1  }
0x17: {  	s4 =	simm.s32 $0x1BF5;
	[smem:$0x3FB7] =	sst s0  }
0x18: {  	s0 =	sld [smem:$0x3F9A];
	_ =	swait.ge [sflag:s4], $0x0  }
0x19: {  	s7 =	sld [smem:$0x3F9B]  }
0x1a: {  	s8 =	sadd.s32 $0xFFFFE003, lr  }
0x1b: {  	s9 =	sadd.s32 $0xFFFFFEF7, lr;
	s5 =	simm.s32 $0xFFFFFFFF;
	p2 =	slt.u32 s8, $0xFFFFF086  }
0x1c: {  	p1 =	slt.u32 s9, $0xF7A;
	s5 =	simm.s32 @!p2 $0x0  }
0x1d: {  	s5 =	simm.s32 @p1 $0x1;
	p0 =	seq.s32 s7, s2  }
0x1e: {  	s7 =	smul.u32 @!p0 $0xF7A, s2;
	p2 =	seq.s32 @!p0 s5, $0x0  }
0x1f: {  	s9 =	smul.u32 $0xF7A, s1;
	s8 =	simm.s32 @!p0 $0x1BF5;
	p2 =	por !p2, p0  }
0x20: {  	[sflag:s8] =	ssyncset.s32 @!p0 $0xFFFFF086;
	s6 =	sadd.s32 @!p0 s3, s7;
	s7 =	simm.s32 @!p0 $0x108  }
0x21: {  	s3 =	sadd.s32 s3, s9;
	s6 =	sadd.s32 @!p0 $0x88, s6;
	s7 =	simm.s32 @p2 $0x1082  }
0x22: {  	[simem:s7], [sflag:s8] =	dma.local @!p0 [hbm:s6], $0xF7A  }
0x23: {  	s9 =	sor.u32 $0xD0000000, s2;
	s6 =	simm.s32 $0x108;
	_ =	swait.ge @!p0 [sflag:s8], $0x0  }
0x24: {  	s3 =	sadd.s32 $0x88, s3;
	s6 =	simm.s32 @!p1 $0x1082;
	[sflag:s4] =	ssyncset.s32 $0xFFFFF086  }
0x25: {  	[simem:s6], [sflag:s4] =	dma.local [hbm:s3], $0xF7A  }
0x26: {  	[smem:$0x3F9B] =	sst s1;
	(tag) =	ssettag s2;
	_ =	strace s9  }
0x27: {  	s1 =	sld [smem:$0x3FAB]  }
0x28: {  	s2 =	sld [smem:$0x3FAC]  }
0x29: {  	s4 =	sld [smem:$0x3FAE]  }
0x2a: {  	p0 =	seq.s32 s5, $0x0;
	s5 =	sld [smem:$0x3FAF]  }
0x2b: {  	s6 =	sld [smem:$0x3FB0]  }
0x2c: {  	s7 =	sld [smem:$0x3FB1]  }
0x2d: {  	s3 =	simm.s32 $0x108;
	s8 =	sld [smem:$0x3FB2]  }
0x2e: {  	s3 =	simm.s32 @!p0 $0x1082;
	s9 =	sld [smem:$0x3FB3]  }
0x2f: {  	lr =	sadd.s32 s0, s3;
	s0 =	sld [smem:$0x3FAA]  }
0x30: {  	s3 =	sld [smem:$0x3FAD]  }
0x31: {  	[smem:$0x3FB6] =	sst s10  }
0x32: {  	s10 =	sld [smem:$0x3FB4];
	_ =	sdelay $0x3  }
0x33: {  	p0 =	seq.s32 s10, $0x1;
	s10 =	sld [smem:$0x3FB6];
	_ =	sdelay $0x3  }
0x34: {  	[smem:$0x3FB6] =	sst s10  }
0x35: {  	s10 =	sld [smem:$0x3FB5];
	_ =	sdelay $0x3  }
0x36: {  	p1 =	seq.s32 s10, $0x1;
	s10 =	sld [smem:$0x3FB6];
	_ =	sdelay $0x3  }
0x37: {  	[smem:$0x3FB6] =	sst s10  }
0x38: {  	s10 =	sld [smem:$0x3FB7]  }
0x39: {  	_ = 	snop;
	(pc) =	sbr.ind lr, $3  }
0x3a: {  	_ = 	snop  }
0x3b: {  	_ = 	snop  }
0x3c: {  	p2 =	seq.s32 s10, $0x1;
	s10 =	sld [smem:$0x3FB6]  }
0x3d: {  	_ =	shalt  }
0x3e: {  	_ =	shalt  }
0x3f: {  	_ =	shalt  }
0x40: {  	_ =	shalt  }
0x41: {  	_ =	shalt  }
0x42: {  	_ =	shalt  }
0x43: {  	_ =	shalt  }
0x44: {  	_ =	shalt  }
0x45: {  	_ =	shalt  }
0x46: {  	_ =	shalt  }
0x47: {  	_ =	shalt  }
0x48: {  	_ =	shalt  }
0x49: {  	_ =	shalt  }
0x4a: {  	_ =	shalt  }
0x4b: {  	_ =	shalt  }
0x4c: {  	_ =	shalt  }
0x4d: {  	_ =	shalt  }
0x4e: {  	_ =	shalt  }
0x4f: {  	_ =	shalt  }
0x50: {  	_ =	shalt  }
0x51: {  	_ =	shalt  }
0x52: {  	_ =	shalt  }
0x53: {  	_ =	shalt  }
0x54: {  	_ =	shalt  }
0x55: {  	_ =	shalt  }
0x56: {  	_ =	shalt  }
0x57: {  	_ =	shalt  }
0x58: {  	_ =	shalt  }
0x59: {  	_ =	shalt  }
0x5a: {  	_ =	shalt  }
0x5b: {  	_ =	shalt  }
0x5c: {  	_ =	shalt  }
0x5d: {  	_ =	shalt  }
0x5e: {  	_ =	shalt  }
0x5f: {  	_ =	shalt  }
0x60: {  	_ =	shalt  }
0x61: {  	_ =	shalt  }
0x62: {  	_ =	shalt  }
0x63: {  	_ =	shalt  }
0x64: {  	_ =	shalt  }
0x65: {  	_ =	shalt  }
0x66: {  	_ =	shalt  }
0x67: {  	_ =	shalt  }
0x68: {  	_ =	shalt  }
0x69: {  	_ =	shalt  }
0x6a: {  	_ =	shalt  }
0x6b: {  	_ =	shalt  }
0x6c: {  	_ =	shalt  }
0x6d: {  	_ =	shalt  }
0x6e: {  	_ =	shalt  }
0x6f: {  	_ =	shalt  }
0x70: {  	_ =	shalt  }
0x71: {  	_ =	shalt  }
0x72: {  	_ =	shalt  }
0x73: {  	_ =	shalt  }
0x74: {  	_ =	shalt  }
0x75: {  	_ =	shalt  }
0x76: {  	_ =	shalt  }
0x77: {  	_ =	shalt  }
0x78: {  	_ =	shalt  }
0x79: {  	_ =	shalt  }
0x7a: {  	_ =	shalt  }
0x7b: {  	_ =	shalt  }
0x7c: {  	_ =	shalt  }
0x7d: {  	_ =	shalt  }
0x7e: {  	_ =	shalt  }
0x7f: {  	_ =	shalt  }
0x80: {  	_ =	shalt  }
0x81: {  	_ =	shalt  }
0x82: {  	_ =	shalt  }
0x83: {  	_ =	shalt  }
0x84: {  	_ =	shalt  }
0x85: {  	_ =	shalt  }
0x86: {  	_ =	shalt  }
0x87: {  	_ =	shalt  }
.Lfunc_end0:
.L_simem_size_0:
called_computation.2_lowered:
.L_overlay_start_0:
0x88: {  	s2 =	sld [smem:$0x3FD9]  }
0x89: {  	s3 =	sld [smem:$0x3FFE];
	_ =	sdelay $0x1  }
0x8a: {  	s1 =	srdreg.scid  }
0x8b: {  	s0 =	sand.u32 $0x1, s1  }
0x8c: {  	s17 =	sshll.u32 s0, $0xA;
	s2 =	sadd.s32 s3, s2  }
0x8d: {  	s2 =	sadd.s32 s2, s17  }
0x8e: {  	[smem:$0x3FC2] =	sst s2  }
0x8f: {  	_ = 	snop  }
0x90: {  	s2 =	sld [smem:$0x3FD0];
	(tm) =	ssettm $0x1  }
0x91: {  	s18 =	sld [smem:$0x3FFB];
	_ =	sdelay $0x3  }
0x92: {  	_ =	strace s18  }
0x93: {  	s3 =	sld [smem:$0x3FFC];
	_ =	sdelay $0x3  }
0x94: {  	_ =	strace s3  }
0x95: {  	s3 =	sld [smem:$0x3FFD];
	_ =	sdelay $0x3  }
0x96: {  	_ =	strace s3  }
0x97: {  	_ =	strace $0x8FFFFFFF  }
0x98: {  	s19 =	sld [smem:$0x3FDB];
	_ =	sdelay $0x1  }
0x99: {  	s4 =	simm.s32 $_scs_section_size  }
0x9a: {  	s5 =	simm.s32 $_size__tile_overlayer_lowered;
	s6 =	simm.s32 $_tile_overlayer_lowered  }
0x9b: {  	s22 =	simm.s32 $0x1BFF;
	s21 =	sshll.u32 s6, $0x1;
	s3 =	sadd.s32 s4, s19  }
0x9c: {  	s7 =	simm.s32 $0x0;
	s20 =	sshll.u32 s5, $0x1;
	s5 =	sadd.s32 s21, s3  }
0x9d: {  	[timem:s7], [sflag:s22] =	dma.local [hbm:s5], s20  }
0x9e: {  	_ =	swait.ge [sflag:s22], s20  }
0x9f: {  	s4 =	ssub.s32 $0x0, s20;
	[sflag:s22] =	ssyncset.done $0x0  }
0xa0: {  	[sflag:s22] =	ssyncadd.s32 s4;
	_ =	sdelay $0x1  }
0xa1: {  	s23 =	simm.s32 $0x1B8B  }
0xa2: {  	_ =	swait.ge [sflag:s23], $0x1  }
0xa3: {  	[sflag:s23] =	ssyncset.done $0x0  }
0xa4: {  	s25 =	simm.s32 $0x1B8E;
	s24 =	sld [smem:$0x3FFE];
	[sflag:s23] =	ssyncadd.s32 $0xFFFFFFFF  }
0xa5: {  	s26 =	simm.s32 $execute0_lowered;
	[smem:$0x3FD2] =	sst s25  }
0xa6: {  	s5 =	sshll.u32 s26, $0x1;
	_ =	strace $0x8000004C;
	[dreg:$0x1] =	wrdreg $0xFFFFFFFF  }
0xa7: {  	s28 =	simm.s32 $_size_execute0_lowered;
	s3 =	sadd.s32 s3, s5;
	[dreg:$0x0] =	wrdreg $0x0  }
0xa8: {  	s5 =	sshll.u32 s28, $0x1;
	[dreg:$0x2] =	wrdreg s3  }
0xa9: {  	[dreg:$0x3] =	wrdreg s5  }
0xaa: {  	[dreg:$0x4] =	wrdreg $0xC0  }
0xab: {  	_ =	task [dreg:s7], $0x5FFFF  }
0xac: {  	[dreg:$0x1] =	wrdreg $0xFFFFFFFF  }
0xad: {  	[dreg:$0x0] =	wrdreg $0x60  }
0xae: {  	[dreg:$0x2] =	wrdreg s24  }
0xaf: {  	[dreg:$0x3] =	wrdreg s2  }
0xb0: {  	[dreg:$0x4] =	wrdreg $0xA8000  }
0xb1: {  	[dreg:$0x5] =	wrdreg $0x9  }
0xb2: {  	_ =	task.clear_ibuf [dreg:s7], $0x6FFFF;
	_ =	strace $0x9000004C  }
0xb3: {  	s29 =	simm.s32 $0x9;
	_ =	strace $0x8000004E  }
0xb4: {  	_ =	swait.ge [sflag:s29], $0x1  }
0xb5: {  	[sflag:s29] =	ssyncadd.s32 $0xFFFFFFFF  }
0xb6: {  	_ =	strace $0x9000004E  }
0xb7: {  	_ =	sfence  }
0xb8: {  	s30 =	sld [smem:$0x0];
	_ =	sdelay $0x2  }
0xb9: {  	s31 =	sshll.u32 s1, $0xD;
	s1 =	sshrl.u32 s1, $0x2  }
0xba: {  	s3 =	sand.u32 $0x4000, s31;
	s1 =	sadd.s32 s1, s30  }
0xbb: {  	s0 =	sor.u32 s3, s0;
	s1 =	sshll.u32 s1, $0x11  }
0xbc: {  	s0 =	sor.u32 s1, s0  }
0xbd: {  	s0 =	sadd.s32 $0x8F2B, s0  }
0xbe: {  	[sflag:s0] =	ssyncadd.remote.s32 $0x1  }
0xbf: {  	_ =	sfence.sel $0xFFFF  }
0xc0: {  	[dreg:$0x0] =	wrdreg $0xFFFFFFFF;
	(pc) =	sbr.abs _section_cstart, $3  }
0xc1: {  	[dreg:$0x1] =	wrdreg $0xFFFFFFFF  }
0xc2: {  	_ =	task.clear_ibuf [dreg:s7], $0x2FFFF;
	_ =	strace $0x9FFFFFFF  }
0xc3: {  	(tm) =	ssettm $0x7FFFFFFF  }
tec
execute0_lowered:
.L_overlay_start_1:
0x0: {  	(tag) =	ssettag $0x1  }
0x1: {  	s5 =	rddreg [dreg:$0x0]  }
0x2: {  	s14 =	rddreg [dreg:$0x1]  }
0x3: {  	s2 =	rddreg [dreg:$0x2]  }
0x4: {  	s0 =	srdreg.scid;
	s1 =	rddreg [dreg:$0x3];
	s3 =	simm.s32 $0x0  }
0x5: {  	s17 =	simm.s32 $0x3;
	s18 =	simm.s32 $0x1400;
	s19 =	simm.s32 $0x80  }
0x6: {  	s20 =	simm.s32 $0x6800;
	s21 =	simm.s32 $0x1;
	s22 =	simm.s32 $0x2  }
0x7: {  	s23 =	simm.s32 $0x2700;
	s24 =	simm.s32 $0x2780;
	s6 =	sand.u32 $0x1, s0  }
0x8: {  	s25 =	simm.s32 $0x0;
	s0 =	stileid.u32;
	s4 =	smul.u32 $0x140000, s6  }
0x9: {  	[smem:$0x7FF] =	sst s3;
	s15 =	sadd.s32 $0x2800, s5;
	s7 =	smul.u32 $0x14000, s0  }
0xa: {  	s8 =	smul.u32 $0x50000, s0;
	s30 =	ssub.s32 $0x2, s6;
	s31 =	sshll.u32 s0, $0x1  }
0xb: {  	_ =	strace $0x8000004D;
	s9 =	sshrl.u32 s30, $0x1;
	s11 =	sor.u32 s6, s31  }
0xc: {  	s4 =	sadd.s32 s7, s4;
	s8 =	sshrl.u32 s8, $0x2;
	s12 =	ssub.s32 s30, s9  }
0xd: {  	s13 =	smul.u32 $0x2800, s11;
	s7 =	sshrl.u32 s4, $0x3;
	s4 =	sadd.s32 $0xC800, s5  }
0xe: {  	s11 =	smax.u32 s12, $0x1;
	s10 =	sadd.s32 s7, s5;
	s5 =	sadd.s32 s8, s2  }
0xf: {  	s16 =	sshrl.u32 s13, $0x3;
	s6 =	sadd.s32 $0x4000, s5;
	s7 =	sadd.s32 $0x8000, s5  }
0x10: {  	s8 =	sadd.s32 $0xC000, s5;
	s9 =	sadd.s32 $0x10000, s5;
	s10 =	sadd.s32 $0x34800, s10  }
0x11: {  	s12 =	sadd.s32 s14, s16;
	s13 =	sadd.s32 s15, s16;
	s16 =	sadd.s32 $0x280, s16  }
0x12: {  	v0 =	vimm.f32 $0.0e+00;
	s14 =	sadd.s32 s14, s16;
	s15 =	sadd.s32 s15, s16;
	s16 =	simm.s32 $0x2800  }
.LBB2_1:
0x13: {  	s26 =	sand.u32 $0xFE00, s3  }
0x14: {  	s28 =	sand.u32 $0x70, s3;
	s29 =	sshrl.u32 s26, $0x2  }
0x15: {  	s26 =	simm.s32 $0x40;
	s29 =	sor.u32 s28, s29;
	s28 =	simm.s32 $0x0  }
.LBB2_2:
0x16: {  	p0 =	sne.s32 s26, $0xFFC0  }
0x17: {  	[tilespmem:s29+$0x2800] =	vst v0;
	s28 =	sadd.s32 $0x10, s28;
	s29 =	smov.u32 s26;
	s26 =	sadd.s32 $0x40, s26  }
.Ltmp0:
0x18: {  	(pc) =	sbr.rel @p0 .LBB2_2-.Ltmp0, $4  }
0x19: {  	_ = 	snop  }
0x1a: {  	s29 =	sand.u32 $0xFE00, s29  }
0x1b: {  	s30 =	sand.u32 $0x70, s28;
	s29 =	sshrl.u32 s29, $0x2  }
0x1c: {  	s29 =	sor.u32 s30, s29  }
0x1d: {  	[tilespmem:s29+$0x2800] =	vst v0  }
0x1e: {  	[spmem:s5] =	stream.linear.scatter [tilespmem:s16], [sflag:$0x3], $0x4000, $0x38;
	[tilespmem:$0x1E800] =	vst v63  }
0x1f: {  	_ =	swait.ge [sflag:s17], $0x4000  }
0x20: {  	[sflag:s17] =	ssyncset.done $0x0  }
0x21: {  	[sflag:s17] =	ssyncadd.s32 $0xFFFFC000  }
0x22: {  	[spmem:s6] =	stream.linear.scatter [tilespmem:s16], [sflag:$0x3], $0x4000, $0x38;
	[tilespmem:$0x1E800] =	vst v63  }
0x23: {  	_ =	swait.ge [sflag:s17], $0x4000  }
0x24: {  	[sflag:s17] =	ssyncset.done $0x0  }
0x25: {  	[sflag:s17] =	ssyncadd.s32 $0xFFFFC000  }
0x26: {  	[spmem:s7] =	stream.linear.scatter [tilespmem:s16], [sflag:$0x3], $0x4000, $0x38;
	[tilespmem:$0x1E800] =	vst v63  }
0x27: {  	_ =	swait.ge [sflag:s17], $0x4000  }
0x28: {  	[sflag:s17] =	ssyncset.done $0x0  }
0x29: {  	[sflag:s17] =	ssyncadd.s32 $0xFFFFC000  }
0x2a: {  	[spmem:s8] =	stream.linear.scatter [tilespmem:s16], [sflag:$0x3], $0x4000, $0x38;
	[tilespmem:$0x1E800] =	vst v63  }
0x2b: {  	_ =	swait.ge [sflag:s17], $0x4000  }
0x2c: {  	[sflag:s17] =	ssyncset.done $0x0  }
0x2d: {  	[sflag:s17] =	ssyncadd.s32 $0xFFFFC000  }
0x2e: {  	[spmem:s9] =	stream.linear.scatter [tilespmem:s16], [sflag:$0x3], $0x4000, $0x38;
	[tilespmem:$0x1E800] =	vst v63  }
0x2f: {  	_ =	swait.ge [sflag:s17], $0x4000  }
0x30: {  	[sflag:s17] =	ssyncset.done $0x0  }
0x31: {  	[sflag:s17] =	ssyncadd.s32 $0xFFFFC000  }
0x32: {  	s26 =	simm.s32 $0x0;
	[bflag:$0x0] =	sbarrier.arrive $0xFFFF  }
0x33: {  	[tilespmem:s26], [sflag:$0x3] =	stream.linear.gather [hbm4b:s12+s26], $0x1400, $0x38;
	[tilespmem:$0x1E800] =	vst v63  }
0x34: {  	_ =	swait.ge [sflag:s17], $0x1400  }
0x35: {  	[sflag:s17] =	ssyncset.done $0x0  }
0x36: {  	[sflag:s17] =	ssyncadd.s32 $0xFFFFEC00  }
0x37: {  	[tilespmem:s18], [sflag:$0x3] =	stream.linear.gather [hbm4b:s13+s26], $0x1400, $0x38;
	[tilespmem:$0x1E800] =	vst v63  }
0x38: {  	_ =	swait.ge [sflag:s17], $0x1400  }
0x39: {  	[sflag:s17] =	ssyncset.done $0x0  }
0x3a: {  	[sflag:s17] =	ssyncadd.s32 $0xFFFFEC00  }
0x3b: {  	[tilespmem:s16], [sflag:$0x1] =	stream.indirect.gather [hbm4b:s4+s19], $0x80, s26, s19, $0xb8;
	[tilespmem:$0x1E800] =	vst v63  }
0x3c: {  	_ = 	snop  }
0x3d: {  	[tilespmem:s20], [sflag:$0x2] =	stream.indirect.gather [hbm4b:s4+s19], $0x80, s19, s19, $0xb8;
	[tilespmem:$0x1E800] =	vst v63  }
0x3e: {  	_ =	swait.ge [sflag:s21], $0x4000  }
0x3f: {  	[sflag:s21] =	ssyncset.done $0x0  }
0x40: {  	s29 =	simm.s32 $0x1400;
	[sflag:s21] =	ssyncadd.s32 $0xFFFFC000  }
0x41: {  	[spmem:s2] =	stream.indirect.scatter.add.f32 [tilespmem:s16], [sflag:$0x3], $0x80, s29, s19, $0xb8;
	[tilespmem:$0x1E800] =	vst v63  }
0x42: {  	_ =	swait.ge [sflag:s17], $0x4000  }
0x43: {  	[sflag:s17] =	ssyncset.done $0x0  }
0x44: {  	s30 =	simm.s32 $0x100;
	[sflag:s17] =	ssyncadd.s32 $0xFFFFC000  }
0x45: {  	[tilespmem:s16], [sflag:$0x1] =	stream.indirect.gather [hbm4b:s4+s19], $0x80, s30, s19, $0xb8;
	[tilespmem:$0x1E800] =	vst v63  }
0x46: {  	_ =	swait.ge [sflag:s22], $0x4000  }
0x47: {  	[sflag:s22] =	ssyncset.done $0x0  }
0x48: {  	s31 =	simm.s32 $0x1480;
	[sflag:s22] =	ssyncadd.s32 $0xFFFFC000  }
0x49: {  	[spmem:s2] =	stream.indirect.scatter.add.f32 [tilespmem:s20], [sflag:$0x3], $0x80, s31, s19, $0xb8;
	[tilespmem:$0x1E800] =	vst v63  }
0x4a: {  	_ =	swait.ge [sflag:s17], $0x4000  }
0x4b: {  	[sflag:s17] =	ssyncset.done $0x0  }
0x4c: {  	s28 =	simm.s32 $0x180;
	s26 =	simm.s32 $0x400;
	[sflag:s17] =	ssyncadd.s32 $0xFFFFC000  }
.LBB2_4:
0x4d: {  	[tilespmem:s20], [sflag:$0x2] =	stream.indirect.gather [hbm4b:s4+s19], $0x80, s28, s19, $0xb8;
	[tilespmem:$0x1E800] =	vst v63  }
0x4e: {  	s28 =	smov.u32 s26  }
0x4f: {  	p0 =	sne.s32 s26, $0x4800;
	s26 =	sadd.s32 $0x400, s26;
	_ =	swait.ge [sflag:s21], $0x4000  }
0x50: {  	s28 =	sshra.s32 s28, $0x2;
	[sflag:s21] =	ssyncset.done $0x0  }
0x51: {  	s29 =	sadd.s32 $0x1400, s28;
	[sflag:s21] =	ssyncadd.s32 $0xFFFFC000  }
0x52: {  	[spmem:s2] =	stream.indirect.scatter.add.f32 [tilespmem:s16], [sflag:$0x3], $0x80, s29, s19, $0xb8;
	[tilespmem:$0x1E800] =	vst v63  }
0x53: {  	_ =	swait.ge [sflag:s17], $0x4000  }
0x54: {  	[sflag:s17] =	ssyncset.done $0x0  }
0x55: {  	s29 =	sadd.s32 $0x100, s28;
	[sflag:s17] =	ssyncadd.s32 $0xFFFFC000  }
0x56: {  	[tilespmem:s16], [sflag:$0x1] =	stream.indirect.gather [hbm4b:s4+s19], $0x80, s29, s19, $0xb8;
	[tilespmem:$0x1E800] =	vst v63  }
0x57: {  	_ =	swait.ge [sflag:s22], $0x4000  }
0x58: {  	[sflag:s22] =	ssyncset.done $0x0  }
.Ltmp1:
0x59: {  	s29 =	sadd.s32 $0x1480, s28;
	[sflag:s22] =	ssyncadd.s32 $0xFFFFC000;
	(pc) =	sbr.rel @p0 .LBB2_4-.Ltmp1, $4  }
0x5a: {  	[spmem:s2] =	stream.indirect.scatter.add.f32 [tilespmem:s20], [sflag:$0x3], $0x80, s29, s19, $0xb8;
	[tilespmem:$0x1E800] =	vst v63  }
0x5b: {  	_ =	swait.ge [sflag:s17], $0x4000  }
0x5c: {  	[sflag:s17] =	ssyncset.done $0x0  }
0x5d: {  	s28 =	sadd.s32 $0x180, s28;
	[sflag:s17] =	ssyncadd.s32 $0xFFFFC000  }
0x5e: {  	[tilespmem:s20], [sflag:$0x2] =	stream.indirect.gather [hbm4b:s4+s19], $0x80, s28, s19, $0xb8;
	[tilespmem:$0x1E800] =	vst v63  }
0x5f: {  	_ =	swait.ge [sflag:s21], $0x4000  }
0x60: {  	[sflag:s21] =	ssyncset.done $0x0  }
0x61: {  	[sflag:s21] =	ssyncadd.s32 $0xFFFFC000  }
0x62: {  	[spmem:s2] =	stream.indirect.scatter.add.f32 [tilespmem:s16], [sflag:$0x3], $0x80, s23, s19, $0xb8;
	[tilespmem:$0x1E800] =	vst v63  }
0x63: {  	_ =	swait.ge [sflag:s17], $0x4000  }
0x64: {  	[sflag:s17] =	ssyncset.done $0x0  }
0x65: {  	[sflag:s17] =	ssyncadd.s32 $0xFFFFC000  }
0x66: {  	_ =	swait.ge [sflag:s22], $0x4000  }
0x67: {  	[sflag:s22] =	ssyncset.done $0x0  }
0x68: {  	[sflag:s22] =	ssyncadd.s32 $0xFFFFC000  }
0x69: {  	[spmem:s2] =	stream.indirect.scatter.add.f32 [tilespmem:s20], [sflag:$0x3], $0x80, s24, s19, $0xb8;
	[tilespmem:$0x1E800] =	vst v63  }
0x6a: {  	_ =	swait.ge [sflag:s17], $0x4000  }
0x6b: {  	[sflag:s17] =	ssyncset.done $0x0  }
0x6c: {  	s26 =	simm.s32 $0x0;
	[sflag:s17] =	ssyncadd.s32 $0xFFFFC000  }
0x6d: {  	[tilespmem:s26], [sflag:$0x3] =	stream.linear.gather [hbm4b:s14+s26], $0x1400, $0x38;
	[tilespmem:$0x1E800] =	vst v63  }
0x6e: {  	_ =	swait.ge [sflag:s17], $0x1400  }
0x6f: {  	[sflag:s17] =	ssyncset.done $0x0  }
0x70: {  	[sflag:s17] =	ssyncadd.s32 $0xFFFFEC00  }
0x71: {  	[tilespmem:s18], [sflag:$0x3] =	stream.linear.gather [hbm4b:s15+s26], $0x1400, $0x38;
	[tilespmem:$0x1E800] =	vst v63  }
0x72: {  	_ =	swait.ge [sflag:s17], $0x1400  }
0x73: {  	[sflag:s17] =	ssyncset.done $0x0  }
0x74: {  	[sflag:s17] =	ssyncadd.s32 $0xFFFFEC00  }
0x75: {  	[tilespmem:s16], [sflag:$0x1] =	stream.indirect.gather [hbm4b:s4+s19], $0x80, s26, s19, $0xb8;
	[tilespmem:$0x1E800] =	vst v63  }
0x76: {  	_ = 	snop  }
0x77: {  	[tilespmem:s20], [sflag:$0x2] =	stream.indirect.gather [hbm4b:s4+s19], $0x80, s19, s19, $0xb8;
	[tilespmem:$0x1E800] =	vst v63  }
0x78: {  	_ =	swait.ge [sflag:s21], $0x4000  }
0x79: {  	[sflag:s21] =	ssyncset.done $0x0  }
0x7a: {  	s29 =	simm.s32 $0x1400;
	[sflag:s21] =	ssyncadd.s32 $0xFFFFC000  }
0x7b: {  	[spmem:s2] =	stream.indirect.scatter.add.f32 [tilespmem:s16], [sflag:$0x3], $0x80, s29, s19, $0xb8;
	[tilespmem:$0x1E800] =	vst v63  }
0x7c: {  	_ =	swait.ge [sflag:s17], $0x4000  }
0x7d: {  	[sflag:s17] =	ssyncset.done $0x0  }
0x7e: {  	s30 =	simm.s32 $0x100;
	[sflag:s17] =	ssyncadd.s32 $0xFFFFC000  }
0x7f: {  	[tilespmem:s16], [sflag:$0x1] =	stream.indirect.gather [hbm4b:s4+s19], $0x80, s30, s19, $0xb8;
	[tilespmem:$0x1E800] =	vst v63  }
0x80: {  	_ =	swait.ge [sflag:s22], $0x4000  }
0x81: {  	[sflag:s22] =	ssyncset.done $0x0  }
0x82: {  	s31 =	simm.s32 $0x1480;
	[sflag:s22] =	ssyncadd.s32 $0xFFFFC000  }
0x83: {  	[spmem:s2] =	stream.indirect.scatter.add.f32 [tilespmem:s20], [sflag:$0x3], $0x80, s31, s19, $0xb8;
	[tilespmem:$0x1E800] =	vst v63  }
0x84: {  	_ =	swait.ge [sflag:s17], $0x4000  }
0x85: {  	[sflag:s17] =	ssyncset.done $0x0  }
0x86: {  	s28 =	simm.s32 $0x180;
	s26 =	simm.s32 $0x400;
	[sflag:s17] =	ssyncadd.s32 $0xFFFFC000  }
.LBB2_6:
0x87: {  	[tilespmem:s20], [sflag:$0x2] =	stream.indirect.gather [hbm4b:s4+s19], $0x80, s28, s19, $0xb8;
	[tilespmem:$0x1E800] =	vst v63  }
0x88: {  	s28 =	smov.u32 s26  }
0x89: {  	p0 =	sne.s32 s26, $0x4800;
	s26 =	sadd.s32 $0x400, s26;
	_ =	swait.ge [sflag:s21], $0x4000  }
0x8a: {  	s28 =	sshra.s32 s28, $0x2;
	[sflag:s21] =	ssyncset.done $0x0  }
0x8b: {  	s29 =	sadd.s32 $0x1400, s28;
	[sflag:s21] =	ssyncadd.s32 $0xFFFFC000  }
0x8c: {  	[spmem:s2] =	stream.indirect.scatter.add.f32 [tilespmem:s16], [sflag:$0x3], $0x80, s29, s19, $0xb8;
	[tilespmem:$0x1E800] =	vst v63  }
0x8d: {  	_ =	swait.ge [sflag:s17], $0x4000  }
0x8e: {  	[sflag:s17] =	ssyncset.done $0x0  }
0x8f: {  	s29 =	sadd.s32 $0x100, s28;
	[sflag:s17] =	ssyncadd.s32 $0xFFFFC000  }
0x90: {  	[tilespmem:s16], [sflag:$0x1] =	stream.indirect.gather [hbm4b:s4+s19], $0x80, s29, s19, $0xb8;
	[tilespmem:$0x1E800] =	vst v63  }
0x91: {  	_ =	swait.ge [sflag:s22], $0x4000  }
0x92: {  	[sflag:s22] =	ssyncset.done $0x0  }
.Ltmp2:
0x93: {  	s29 =	sadd.s32 $0x1480, s28;
	[sflag:s22] =	ssyncadd.s32 $0xFFFFC000;
	(pc) =	sbr.rel @p0 .LBB2_6-.Ltmp2, $4  }
0x94: {  	[spmem:s2] =	stream.indirect.scatter.add.f32 [tilespmem:s20], [sflag:$0x3], $0x80, s29, s19, $0xb8;
	[tilespmem:$0x1E800] =	vst v63  }
0x95: {  	_ =	swait.ge [sflag:s17], $0x4000  }
0x96: {  	[sflag:s17] =	ssyncset.done $0x0  }
0x97: {  	s28 =	sadd.s32 $0x180, s28;
	[sflag:s17] =	ssyncadd.s32 $0xFFFFC000  }
0x98: {  	[tilespmem:s20], [sflag:$0x2] =	stream.indirect.gather [hbm4b:s4+s19], $0x80, s28, s19, $0xb8;
	[tilespmem:$0x1E800] =	vst v63  }
0x99: {  	_ =	swait.ge [sflag:s21], $0x4000  }
0x9a: {  	[sflag:s21] =	ssyncset.done $0x0  }
0x9b: {  	[sflag:s21] =	ssyncadd.s32 $0xFFFFC000  }
0x9c: {  	[spmem:s2] =	stream.indirect.scatter.add.f32 [tilespmem:s16], [sflag:$0x3], $0x80, s23, s19, $0xb8;
	[tilespmem:$0x1E800] =	vst v63  }
0x9d: {  	_ =	swait.ge [sflag:s17], $0x4000  }
0x9e: {  	[sflag:s17] =	ssyncset.done $0x0  }
0x9f: {  	[sflag:s17] =	ssyncadd.s32 $0xFFFFC000  }
0xa0: {  	_ =	swait.ge [sflag:s22], $0x4000  }
0xa1: {  	[sflag:s22] =	ssyncset.done $0x0  }
0xa2: {  	[sflag:s22] =	ssyncadd.s32 $0xFFFFC000  }
0xa3: {  	[spmem:s2] =	stream.indirect.scatter.add.f32 [tilespmem:s20], [sflag:$0x3], $0x80, s24, s19, $0xb8;
	[tilespmem:$0x1E800] =	vst v63  }
0xa4: {  	_ =	swait.ge [sflag:s17], $0x4000  }
0xa5: {  	s26 =	sshll.u32 s0, $0x6;
	s25 =	sadd.s32 $0x1, s25;
	[sflag:s17] =	ssyncset.done $0x0  }
0xa6: {  	s31 =	sshrl.u32 s5, $0x3;
	p0 =	sne.s32 s25, s11;
	[sflag:s17] =	ssyncadd.s32 $0xFFFFC000  }
.Ltmp3:
0xa7: {  	s26 =	sor.u32 $0x1C03, s26;
	[bflag:$0x0] =	sbarrier.arrive $0xFFFF;
	(pc) =	sbr.rel @p0 .LBB2_1-.Ltmp3, $4  }
0xa8: {  	[hbm:s10], [sflag:s26] =	dma.local [spmem:s31], $0x2800  }
0xa9: {  	_ =	swait.ge [sflag:s17], $0x2800  }
0xaa: {  	[sflag:s17] =	ssyncset.done $0x0  }
0xab: {  	[sflag:s17] =	ssyncadd.s32 $0xFFFFD800  }
0xac: {  	_ =	sfence.sel $0x180000  }
0xad: {  	[bflag:$0x0] =	sbarrier.arrive $0xFFFF  }
0xae: {  	p0 =	sne.s32 s0, $0x0;
	_ =	strace $0x9000004D  }
0xaf: {  	s0 =	sadd.s32 @!p0 $0x100000, s1;
	[bflag:$0x2] =	sbarrier.arrive $0xFFFF  }
0xb0: {  	[sflag:s0] =	ssyncadd.tile.s32 @!p0 $0x1;
	_ =	shalt  }
.Lfunc_end2:
_tile_overlayer_lowered:
.L_overlay_start_2:
0xb1: {  	(tag) =	ssettag $0x2  }
0xb2: {  	s0 =	rddreg [dreg:$0x0];
	s2 =	stileid.u32  }
0xb3: {  	s1 =	rddreg [dreg:$0x1];
	p0 =	sne.s32 s2, $0x0  }
0xb4: {  	s3 =	rddreg [dreg:$0x2];
	[bflag:$0x3] =	sbarrier.arrive $0xFFFF;
	s2 =	simm.s32 @!p0 $0x1C03  }
0xb5: {  	[timem:s3], [sflag:s2] =	dma.local @!p0 [hbm:s0], s1  }
0xb6: {  	s0 =	simm.s32 @!p0 $0x3  }
0xb7: {  	_ =	swait.ge @!p0 [sflag:s0], s1  }
0xb8: {  	s1 =	ssub.s32 @!p0 $0x0, s1;
	[sflag:s0] =	ssyncset.done @!p0 $0x0  }
0xb9: {  	[sflag:s0] =	ssyncadd.s32 @!p0 s1  }
0xba: {  	[bflag:$0x3] =	sbarrier.arrive $0xFFFF  }
0xbb: {  	_ =	shalt  }

// kernel: kernel.9.cloned.1.call-start
scs
__scs_entry_jumppad:
0x0: {  	(pc) =	sbr.rel $0x88, $3  }
0x1: {  	(tag) =	ssettag $0x0;
	lr =	simm.s32 $0x1  }
0x2: {  	[smem:$0x3F9B] =	sst lr;
	_ =	strace $0xD0000000  }
0x3: {  	_ = 	snop  }
0x4: {  	_ = 	snop  }
0x5: {  	_ = 	snop  }
0x6: {  	_ = 	snop  }
0x7: {  	_ = 	snop  }
__scs_overlays_trampoline_lowered:
0x8: {  	[smem:$0x3FAA] =	sst s0  }
0x9: {  	[smem:$0x3FAB] =	sst s1  }
0xa: {  	[smem:$0x3FAC] =	sst s2  }
0xb: {  	[smem:$0x3FAD] =	sst s3  }
0xc: {  	[smem:$0x3FAE] =	sst s4  }
0xd: {  	[smem:$0x3FAF] =	sst s5  }
0xe: {  	[smem:$0x3FB0] =	sst s6  }
0xf: {  	[smem:$0x3FB1] =	sst s7  }
0x10: {  	[smem:$0x3FB2] =	sst s8  }
0x11: {  	[smem:$0x3FB3] =	sst s9;
	s0 =	simm.s32 @!p0 $0x0  }
0x12: {  	s1 =	sld [smem:$0x3F99];
	s0 =	simm.s32 @p0 $0x1  }
0x13: {  	[smem:$0x3FB4] =	sst s0;
	s0 =	simm.s32 @!p1 $0x0  }
0x14: {  	s2 =	sld [smem:$0x3F98];
	s0 =	simm.s32 @p1 $0x1  }
0x15: {  	[smem:$0x3FB5] =	sst s0;
	s0 =	simm.s32 @!p2 $0x0  }
0x16: {  	s3 =	sld [smem:$0x3FDB];
	s0 =	simm.s32 @p2 $0x1  }
0x17: {  	s4 =	simm.s32 $0x1BF5;
	[smem:$0x3FB7] =	sst s0  }
0x18: {  	s0 =	sld [smem:$0x3F9A];
	_ =	swait.ge [sflag:s4], $0x0  }
0x19: {  	s7 =	sld [smem:$0x3F9B]  }
0x1a: {  	s8 =	sadd.s32 $0xFFFFE003, lr  }
0x1b: {  	s9 =	sadd.s32 $0xFFFFFEF7, lr;
	s5 =	simm.s32 $0xFFFFFFFF;
	p2 =	slt.u32 s8, $0xFFFFF086  }
0x1c: {  	p1 =	slt.u32 s9, $0xF7A;
	s5 =	simm.s32 @!p2 $0x0  }
0x1d: {  	s5 =	simm.s32 @p1 $0x1;
	p0 =	seq.s32 s7, s2  }
0x1e: {  	s7 =	smul.u32 @!p0 $0xF7A, s2;
	p2 =	seq.s32 @!p0 s5, $0x0  }
0x1f: {  	s9 =	smul.u32 $0xF7A, s1;
	s8 =	simm.s32 @!p0 $0x1BF5;
	p2 =	por !p2, p0  }
0x20: {  	[sflag:s8] =	ssyncset.s32 @!p0 $0xFFFFF086;
	s6 =	sadd.s32 @!p0 s3, s7;
	s7 =	simm.s32 @!p0 $0x108  }
0x21: {  	s3 =	sadd.s32 s3, s9;
	s6 =	sadd.s32 @!p0 $0x88, s6;
	s7 =	simm.s32 @p2 $0x1082  }
0x22: {  	[simem:s7], [sflag:s8] =	dma.local @!p0 [hbm:s6], $0xF7A  }
0x23: {  	s9 =	sor.u32 $0xD0000000, s2;
	s6 =	simm.s32 $0x108;
	_ =	swait.ge @!p0 [sflag:s8], $0x0  }
0x24: {  	s3 =	sadd.s32 $0x88, s3;
	s6 =	simm.s32 @!p1 $0x1082;
	[sflag:s4] =	ssyncset.s32 $0xFFFFF086  }
0x25: {  	[simem:s6], [sflag:s4] =	dma.local [hbm:s3], $0xF7A  }
0x26: {  	[smem:$0x3F9B] =	sst s1;
	(tag) =	ssettag s2;
	_ =	strace s9  }
0x27: {  	s1 =	sld [smem:$0x3FAB]  }
0x28: {  	s2 =	sld [smem:$0x3FAC]  }
0x29: {  	s4 =	sld [smem:$0x3FAE]  }
0x2a: {  	p0 =	seq.s32 s5, $0x0;
	s5 =	sld [smem:$0x3FAF]  }
0x2b: {  	s6 =	sld [smem:$0x3FB0]  }
0x2c: {  	s7 =	sld [smem:$0x3FB1]  }
0x2d: {  	s3 =	simm.s32 $0x108;
	s8 =	sld [smem:$0x3FB2]  }
0x2e: {  	s3 =	simm.s32 @!p0 $0x1082;
	s9 =	sld [smem:$0x3FB3]  }
0x2f: {  	lr =	sadd.s32 s0, s3;
	s0 =	sld [smem:$0x3FAA]  }
0x30: {  	s3 =	sld [smem:$0x3FAD]  }
0x31: {  	[smem:$0x3FB6] =	sst s10  }
0x32: {  	s10 =	sld [smem:$0x3FB4];
	_ =	sdelay $0x3  }
0x33: {  	p0 =	seq.s32 s10, $0x1;
	s10 =	sld [smem:$0x3FB6];
	_ =	sdelay $0x3  }
0x34: {  	[smem:$0x3FB6] =	sst s10  }
0x35: {  	s10 =	sld [smem:$0x3FB5];
	_ =	sdelay $0x3  }
0x36: {  	p1 =	seq.s32 s10, $0x1;
	s10 =	sld [smem:$0x3FB6];
	_ =	sdelay $0x3  }
0x37: {  	[smem:$0x3FB6] =	sst s10  }
0x38: {  	s10 =	sld [smem:$0x3FB7]  }
0x39: {  	_ = 	snop;
	(pc) =	sbr.ind lr, $3  }
0x3a: {  	_ = 	snop  }
0x3b: {  	_ = 	snop  }
0x3c: {  	p2 =	seq.s32 s10, $0x1;
	s10 =	sld [smem:$0x3FB6]  }
0x3d: {  	_ =	shalt  }
0x3e: {  	_ =	shalt  }
0x3f: {  	_ =	shalt  }
0x40: {  	_ =	shalt  }
0x41: {  	_ =	shalt  }
0x42: {  	_ =	shalt  }
0x43: {  	_ =	shalt  }
0x44: {  	_ =	shalt  }
0x45: {  	_ =	shalt  }
0x46: {  	_ =	shalt  }
0x47: {  	_ =	shalt  }
0x48: {  	_ =	shalt  }
0x49: {  	_ =	shalt  }
0x4a: {  	_ =	shalt  }
0x4b: {  	_ =	shalt  }
0x4c: {  	_ =	shalt  }
0x4d: {  	_ =	shalt  }
0x4e: {  	_ =	shalt  }
0x4f: {  	_ =	shalt  }
0x50: {  	_ =	shalt  }
0x51: {  	_ =	shalt  }
0x52: {  	_ =	shalt  }
0x53: {  	_ =	shalt  }
0x54: {  	_ =	shalt  }
0x55: {  	_ =	shalt  }
0x56: {  	_ =	shalt  }
0x57: {  	_ =	shalt  }
0x58: {  	_ =	shalt  }
0x59: {  	_ =	shalt  }
0x5a: {  	_ =	shalt  }
0x5b: {  	_ =	shalt  }
0x5c: {  	_ =	shalt  }
0x5d: {  	_ =	shalt  }
0x5e: {  	_ =	shalt  }
0x5f: {  	_ =	shalt  }
0x60: {  	_ =	shalt  }
0x61: {  	_ =	shalt  }
0x62: {  	_ =	shalt  }
0x63: {  	_ =	shalt  }
0x64: {  	_ =	shalt  }
0x65: {  	_ =	shalt  }
0x66: {  	_ =	shalt  }
0x67: {  	_ =	shalt  }
0x68: {  	_ =	shalt  }
0x69: {  	_ =	shalt  }
0x6a: {  	_ =	shalt  }
0x6b: {  	_ =	shalt  }
0x6c: {  	_ =	shalt  }
0x6d: {  	_ =	shalt  }
0x6e: {  	_ =	shalt  }
0x6f: {  	_ =	shalt  }
0x70: {  	_ =	shalt  }
0x71: {  	_ =	shalt  }
0x72: {  	_ =	shalt  }
0x73: {  	_ =	shalt  }
0x74: {  	_ =	shalt  }
0x75: {  	_ =	shalt  }
0x76: {  	_ =	shalt  }
0x77: {  	_ =	shalt  }
0x78: {  	_ =	shalt  }
0x79: {  	_ =	shalt  }
0x7a: {  	_ =	shalt  }
0x7b: {  	_ =	shalt  }
0x7c: {  	_ =	shalt  }
0x7d: {  	_ =	shalt  }
0x7e: {  	_ =	shalt  }
0x7f: {  	_ =	shalt  }
0x80: {  	_ =	shalt  }
0x81: {  	_ =	shalt  }
0x82: {  	_ =	shalt  }
0x83: {  	_ =	shalt  }
0x84: {  	_ =	shalt  }
0x85: {  	_ =	shalt  }
0x86: {  	_ =	shalt  }
0x87: {  	_ =	shalt  }
.Lfunc_end0:
.L_simem_size_0:
called_computation_lowered:
.L_overlay_start_0:
0x88: {  	s2 =	sld [smem:$0x3FD9]  }
0x89: {  	s3 =	sld [smem:$0x3FFE];
	_ =	sdelay $0x1  }
0x8a: {  	s1 =	srdreg.scid  }
0x8b: {  	s0 =	sand.u32 $0x1, s1  }
0x8c: {  	s16 =	sshll.u32 s0, $0xA;
	s2 =	sadd.s32 s3, s2  }
0x8d: {  	s2 =	sadd.s32 s2, s16  }
0x8e: {  	[smem:$0x3FC2] =	sst s2  }
0x8f: {  	_ = 	snop  }
0x90: {  	(tm) =	ssettm $0x1  }
0x91: {  	s17 =	sld [smem:$0x3FFB];
	_ =	sdelay $0x3  }
0x92: {  	_ =	strace s17  }
0x93: {  	s2 =	sld [smem:$0x3FFC];
	_ =	sdelay $0x3  }
0x94: {  	_ =	strace s2  }
0x95: {  	s2 =	sld [smem:$0x3FFD];
	_ =	sdelay $0x3  }
0x96: {  	_ =	strace s2  }
0x97: {  	_ =	strace $0x8FFFFFFF  }
0x98: {  	s18 =	sld [smem:$0x3FDB];
	_ =	sdelay $0x1  }
0x99: {  	s19 =	simm.s32 $_scs_section_size  }
0x9a: {  	s4 =	simm.s32 $_size__tile_overlayer_lowered;
	s5 =	simm.s32 $_tile_overlayer_lowered  }
0x9b: {  	s22 =	simm.s32 $0x1BFF;
	s21 =	sshll.u32 s5, $0x1;
	s2 =	sadd.s32 s19, s18  }
0x9c: {  	s6 =	simm.s32 $0x0;
	s20 =	sshll.u32 s4, $0x1;
	s4 =	sadd.s32 s21, s2  }
0x9d: {  	[timem:s6], [sflag:s22] =	dma.local [hbm:s4], s20  }
0x9e: {  	_ =	swait.ge [sflag:s22], s20  }
0x9f: {  	s3 =	ssub.s32 $0x0, s20;
	[sflag:s22] =	ssyncset.done $0x0  }
0xa0: {  	[sflag:s22] =	ssyncadd.s32 s3;
	_ =	sdelay $0x1  }
0xa1: {  	s23 =	simm.s32 $0x1B8B  }
0xa2: {  	_ =	swait.ge [sflag:s23], $0x1  }
0xa3: {  	[sflag:s23] =	ssyncset.done $0x0  }
0xa4: {  	s25 =	simm.s32 $0x1B8E;
	s24 =	sld [smem:$0x3FFE];
	[sflag:s23] =	ssyncadd.s32 $0xFFFFFFFF  }
0xa5: {  	s26 =	simm.s32 $execute0_lowered;
	[smem:$0x3FD2] =	sst s25  }
0xa6: {  	s4 =	sshll.u32 s26, $0x1;
	_ =	strace $0x80000046;
	[dreg:$0x1] =	wrdreg $0xFFFFFFFF  }
0xa7: {  	s28 =	simm.s32 $_size_execute0_lowered;
	s2 =	sadd.s32 s2, s4;
	[dreg:$0x0] =	wrdreg $0x0  }
0xa8: {  	s4 =	sshll.u32 s28, $0x1;
	[dreg:$0x2] =	wrdreg s2  }
0xa9: {  	[dreg:$0x3] =	wrdreg s4  }
0xaa: {  	[dreg:$0x4] =	wrdreg $0xC0  }
0xab: {  	_ =	task [dreg:s6], $0x5FFFF  }
0xac: {  	[dreg:$0x1] =	wrdreg $0xFFFFFFFF  }
0xad: {  	[dreg:$0x0] =	wrdreg $0x60  }
0xae: {  	[dreg:$0x2] =	wrdreg s24  }
0xaf: {  	[dreg:$0x3] =	wrdreg $0x2B000  }
0xb0: {  	[dreg:$0x4] =	wrdreg $0x9  }
0xb1: {  	_ =	task.clear_ibuf [dreg:s6], $0x5FFFF;
	_ =	strace $0x90000046  }
0xb2: {  	s29 =	simm.s32 $0x9;
	_ =	strace $0x80000048  }
0xb3: {  	_ =	swait.ge [sflag:s29], $0x1  }
0xb4: {  	[sflag:s29] =	ssyncadd.s32 $0xFFFFFFFF  }
0xb5: {  	_ =	strace $0x90000048  }
0xb6: {  	_ =	sfence  }
0xb7: {  	s30 =	sld [smem:$0x0];
	_ =	sdelay $0x2  }
0xb8: {  	s31 =	sshll.u32 s1, $0xD;
	s1 =	sshrl.u32 s1, $0x2  }
0xb9: {  	s3 =	sand.u32 $0x4000, s31;
	s1 =	sadd.s32 s1, s30  }
0xba: {  	s0 =	sor.u32 s3, s0;
	s1 =	sshll.u32 s1, $0x11  }
0xbb: {  	s0 =	sor.u32 s1, s0  }
0xbc: {  	s0 =	sadd.s32 $0x8F2B, s0  }
0xbd: {  	[sflag:s0] =	ssyncadd.remote.s32 $0x1  }
0xbe: {  	_ =	sfence.sel $0xFFFF  }
0xbf: {  	[dreg:$0x0] =	wrdreg $0xFFFFFFFF;
	(pc) =	sbr.abs _section_cstart, $3  }
0xc0: {  	[dreg:$0x1] =	wrdreg $0xFFFFFFFF  }
0xc1: {  	_ =	task.clear_ibuf [dreg:s6], $0x2FFFF;
	_ =	strace $0x9FFFFFFF  }
0xc2: {  	(tm) =	ssettm $0x7FFFFFFF  }
0xc3: {  	_ =	shalt  }
tec
execute0_lowered:
.L_overlay_start_1:
0x0: {  	(tag) =	ssettag $0x1  }
0x1: {  	s4 =	rddreg [dreg:$0x0]  }
0x2: {  	s2 =	rddreg [dreg:$0x1]  }
0x3: {  	s3 =	srdreg.scid;
	s1 =	stileid.u32  }
0x4: {  	s0 =	rddreg [dreg:$0x2];
	s10 =	simm.s32 $0x80;
	s11 =	simm.s32 $0x2A80  }
0x5: {  	s14 =	simm.s32 $0x20;
	s15 =	simm.s32 $0x10;
	s16 =	simm.s32 $0x0  }
0x6: {  	s5 =	sand.u32 $0x1, s3;
	s6 =	sshll.u32 s1, $0x1;
	s7 =	smul.u32 $0x500, s1  }
0x7: {  	s3 =	simm.s32 $0x0;
	s30 =	smul.u32 $0xA00, s1;
	s12 =	sshll.u32 s1, $0x6  }
0x8: {  	s6 =	sor.u32 s5, s6;
	[smem:$0x7FF] =	sst s3;
	s8 =	sshll.u32 s5, $0x7  }
0x9: {  	s5 =	ssub.s32 $0x2, s5;
	s12 =	sor.u32 $0x1C01, s12;
	s6 =	smul.u32 $0x500, s6  }
0xa: {  	_ =	strace $0x80000047;
	s7 =	sor.u32 s8, s7;
	s31 =	sshrl.u32 s5, $0x1  }
0xb: {  	s8 =	sshrl.u32 s30, $0x2;
	s7 =	sshrl.u32 s7, $0x3;
	s9 =	ssub.s32 s5, s31  }
0xc: {  	s5 =	sadd.s32 s8, s2;
	s8 =	simm.s32 $0x1;
	s6 =	sadd.s32 s6, s4  }
0xd: {  	s7 =	sadd.s32 s7, s4;
	s13 =	sshrl.u32 s5, $0x3;
	s4 =	sadd.s32 $0x2800, s6  }
0xe: {  	v0 =	vimm.f32 $0.0e+00;
	v1 =	vimm.f32 $1.000000000e+00;
	s6 =	sadd.s32 $0xC800, s7;
	s7 =	smax.u32 s9, $0x1;
	s9 =	simm.s32 $0x2800  }
.LBB2_1:
0xf: {  	[tilespmem:$0x2800] =	vst v0  }
0x10: {  	[tilespmem:$0x2810] =	vst v0  }
0x11: {  	[tilespmem:$0x2820] =	vst v0  }
0x12: {  	[tilespmem:$0x2830] =	vst v0  }
0x13: {  	[tilespmem:$0x2840] =	vst v0  }
0x14: {  	[tilespmem:$0x2850] =	vst v0  }
0x15: {  	[tilespmem:$0x2860] =	vst v0  }
0x16: {  	[tilespmem:$0x2870] =	vst v0  }
0x17: {  	[tilespmem:$0x2880] =	vst v0  }
0x18: {  	[tilespmem:$0x2890] =	vst v0  }
0x19: {  	[tilespmem:$0x28A0] =	vst v0  }
0x1a: {  	[tilespmem:$0x28B0] =	vst v0  }
0x1b: {  	[tilespmem:$0x28C0] =	vst v0  }
0x1c: {  	[tilespmem:$0x28D0] =	vst v0  }
0x1d: {  	[tilespmem:$0x28E0] =	vst v0  }
0x1e: {  	[tilespmem:$0x28F0] =	vst v0  }
0x1f: {  	[tilespmem:$0x2900] =	vst v0  }
0x20: {  	[tilespmem:$0x2910] =	vst v0  }
0x21: {  	[tilespmem:$0x2920] =	vst v0  }
0x22: {  	[tilespmem:$0x2930] =	vst v0  }
0x23: {  	[tilespmem:$0x2940] =	vst v0  }
0x24: {  	[tilespmem:$0x2950] =	vst v0  }
0x25: {  	[tilespmem:$0x2960] =	vst v0  }
0x26: {  	[tilespmem:$0x2970] =	vst v0  }
0x27: {  	[tilespmem:$0x2980] =	vst v0  }
0x28: {  	[tilespmem:$0x2990] =	vst v0  }
0x29: {  	[tilespmem:$0x29A0] =	vst v0  }
0x2a: {  	[tilespmem:$0x29B0] =	vst v0  }
0x2b: {  	[tilespmem:$0x29C0] =	vst v0  }
0x2c: {  	[tilespmem:$0x29D0] =	vst v0  }
0x2d: {  	[tilespmem:$0x29E0] =	vst v0  }
0x2e: {  	[tilespmem:$0x29F0] =	vst v0  }
0x2f: {  	[tilespmem:$0x2A00] =	vst v0  }
0x30: {  	[tilespmem:$0x2A10] =	vst v0  }
0x31: {  	[tilespmem:$0x2A20] =	vst v0  }
0x32: {  	[tilespmem:$0x2A30] =	vst v0  }
0x33: {  	[tilespmem:$0x2A40] =	vst v0  }
0x34: {  	[tilespmem:$0x2A50] =	vst v0  }
0x35: {  	[tilespmem:$0x2A60] =	vst v0  }
0x36: {  	[tilespmem:$0x2A70] =	vst v0  }
0x37: {  	[tilespmem:$0x2A80] =	vst v1  }
0x38: {  	[tilespmem:$0x2A90] =	vst v1  }
0x39: {  	[tilespmem:$0x2AA0] =	vst v1  }
0x3a: {  	[tilespmem:$0x2AB0] =	vst v1  }
0x3b: {  	[tilespmem:$0x2AC0] =	vst v1  }
0x3c: {  	[tilespmem:$0x2AD0] =	vst v1  }
0x3d: {  	[tilespmem:$0x2AE0] =	vst v1  }
0x3e: {  	[tilespmem:$0x2AF0] =	vst v1  }
0x3f: {  	[tilespmem:s3], [sflag:$0x1] =	stream.linear.gather [hbm4b:s4+s3], $0x2800, $0x38;
	[tilespmem:$0x2D80] =	vst v63  }
0x40: {  	_ =	swait.ge [sflag:s8], $0x2800  }
0x41: {  	[sflag:s8] =	ssyncset.done $0x0  }
0x42: {  	[sflag:s8] =	ssyncadd.s32 $0xFFFFD800  }
0x43: {  	[spmem:s5] =	stream.linear.scatter [tilespmem:s9], [sflag:$0x1], $0x280, $0x38;
	[tilespmem:$0x2D80] =	vst v63  }
0x44: {  	_ =	swait.ge [sflag:s8], $0x280  }
0x45: {  	[sflag:s8] =	ssyncset.done $0x0  }
0x46: {  	[sflag:s8] =	ssyncadd.s32 $0xFFFFFD80  }
0x47: {  	s17 =	simm.s32 $0x0;
	[bflag:$0x0] =	sbarrier.arrive $0xFFFF  }
0x48: {  	[spmem:s2] =	stream.indirect.scatter.add.f32 [tilespmem:s11], [sflag:$0x1], $0x1, s17, s10, $0xb8;
	[tilespmem:$0x2D80] =	vst v63  }
0x49: {  	_ =	swait.ge [sflag:s8], $0x80  }
0x4a: {  	s17 =	simm.s32 $0x200;
	[sflag:s8] =	ssyncset.done $0x0  }
.LBB2_2:
0x4b: {  	s18 =	sshra.s32 s17, $0x2;
	[sflag:s8] =	ssyncadd.s32 $0xFFFFFF80;
	p0 =	sne.s32 s17, $0x9E00  }
0x4c: {  	[spmem:s2] =	stream.indirect.scatter.add.f32 [tilespmem:s11], [sflag:$0x1], $0x1, s18, s10, $0xb8;
	[tilespmem:$0x2D80] =	vst v63  }
.Ltmp0:
0x4d: {  	_ = 	snop;
	(pc) =	sbr.rel @p0 .LBB2_2-.Ltmp0, $4  }
0x4e: {  	_ = 	snop  }
0x4f: {  	s17 =	sadd.s32 $0x200, s17  }
0x50: {  	_ =	swait.ge [sflag:s8], $0x80  }
0x51: {  	[sflag:s8] =	ssyncset.done $0x0  }
0x52: {  	s16 =	sadd.s32 $0x1, s16  }
0x53: {  	[sflag:s8] =	ssyncadd.s32 $0xFFFFFF80;
	p0 =	sne.s32 s16, s7  }
.Ltmp1:
0x54: {  	[bflag:$0x0] =	sbarrier.arrive $0xFFFF;
	(pc) =	sbr.rel @p0 .LBB2_1-.Ltmp1, $4  }
0x55: {  	[hbm:s6@s14], [sflag:s12] =	dma.strided [spmem:s13@s15], $0x50, s8, $0x10   }
0x56: {  	_ =	swait.ge [sflag:s8], $0x50  }
0x57: {  	[sflag:s8] =	ssyncset.done $0x0  }
0x58: {  	[sflag:s8] =	ssyncadd.s32 $0xFFFFFFB0  }
0x59: {  	_ =	sfence.sel $0x180000  }
0x5a: {  	[bflag:$0x0] =	sbarrier.arrive $0xFFFF  }
0x5b: {  	p0 =	sne.s32 s1, $0x0;
	_ =	strace $0x90000047  }
0x5c: {  	s0 =	sadd.s32 @!p0 $0x100000, s0;
	[bflag:$0x2] =	sbarrier.arrive $0xFFFF  }
0x5d: {  	[sflag:s0] =	ssyncadd.tile.s32 @!p0 $0x1;
	_ =	shalt  }
.Lfunc_end2:
_tile_overlayer_lowered:
.L_overlay_start_2:
0x5e: {  	(tag) =	ssettag $0x2  }
0x5f: {  	s0 =	rddreg [dreg:$0x0];
	s2 =	stileid.u32  }
0x60: {  	s1 =	rddreg [dreg:$0x1];
	p0 =	sne.s32 s2, $0x0  }
0x61: {  	s3 =	rddreg [dreg:$0x2];
	[bflag:$0x3] =	sbarrier.arrive $0xFFFF;
	s2 =	simm.s32 @!p0 $0x1C01  }
0x62: {  	[timem:s3], [sflag:s2] =	dma.local @!p0 [hbm:s0], s1  }
0x63: {  	s0 =	simm.s32 @!p0 $0x1  }
0x64: {  	_ =	swait.ge @!p0 [sflag:s0], s1  }
0x65: {  	s1 =	ssub.s32 @!p0 $0x0, s1;
	[sflag:s0] =	ssyncset.done @!p0 $0x0  }
0x66: {  	[sflag:s0] =	ssyncadd.s32 @!p0 s1  }
0x67: {  	[bflag:$0x3] =	sbarrier.arrive $0xFFFF  }
0x68: {  	_ =	shalt  }

</sc_bundles>
